<compile_context>
chip_gen: v7x
topology: tpu7x:2x2x1
jax: 0.10.2.dev20260603
libtpu: 0.0.44.dev20260713+nightly
codegen_flags: <defaults>
</compile_context>

<pallas_src>
import functools

import jax
import jax.numpy as jnp
from jax.experimental import pallas as pl
from jax.experimental.pallas import tpu as pltpu

B, P, K = 8, 2048, 30
K32 = 32
RB = 256
EB = 128
EPS = 1e-5


def _topk_body(xr_ref, xa_ref, idx_ref):
    xr = xr_ref[0]
    xa = xa_ref[0]
    d2r = jnp.sum(xr * xr, axis=1)
    d2a = jnp.sum(xa * xa, axis=1)
    cross = jax.lax.dot_general(xr, xa, (((1,), (1,)), ((), ())),
                                preferred_element_type=jnp.float32)
    D = d2r[:, None] + d2a[None, :] - 2.0 * cross
    lanes = jax.lax.broadcasted_iota(jnp.int32, D.shape, 1)
    kcol = jax.lax.broadcasted_iota(jnp.int32, (RB, K32), 1)

    def body(k, carry):
        D, idxm = carry
        m = jnp.min(D, axis=1)
        cand = jnp.where(D == m[:, None], lanes, P)
        am = jnp.min(cand, axis=1)
        idxm = jnp.where(kcol == k, am[:, None], idxm)
        D = jnp.where(lanes == am[:, None], jnp.float32(jnp.inf), D)
        return D, idxm

    idx0 = jnp.zeros((RB, K32), jnp.int32)
    _, idxm = jax.lax.fori_loop(0, K, body, (D, idx0))
    idx_ref[0] = idxm


def _topk(x):
    d = x.shape[-1]
    return pl.pallas_call(
        _topk_body,
        grid=(B, P // RB),
        in_specs=[
            pl.BlockSpec((1, RB, d), lambda b, r: (b, r, 0)),
            pl.BlockSpec((1, P, d), lambda b, r: (b, 0, 0)),
        ],
        out_specs=pl.BlockSpec((1, RB, K32), lambda b, r: (b, r, 0)),
        out_shape=jax.ShapeDtypeStruct((B, P, K32), jnp.int32),
    )(x, x)


def _edge_h1(x, xj, w1, b1):
    d = x.shape[-1]
    xi = jnp.broadcast_to(x[:, None, :], (EB, K32, d)).reshape(EB * K32, d)
    e = jnp.concatenate([xi, xj - xi], axis=1)
    z = jax.lax.dot_general(e, w1, (((1,), (0,)), ((), ())),
                            preferred_element_type=jnp.float32) + b1
    return jnp.maximum(z, 0.0)


def _kmask():
    return (jax.lax.broadcasted_iota(jnp.int32, (EB, K32, 1), 1)
            < K).reshape(EB * K32, 1)


def _p1_body(x_ref, xj_ref, w1_ref, b1_ref, s_ref, q_ref):
    h = _edge_h1(x_ref[0], xj_ref[0], w1_ref[...], b1_ref[...])
    hm = jnp.where(_kmask(), h, 0.0)
    s_ref[0, 0, 0] = jnp.sum(hm, axis=0)
    q_ref[0, 0, 0] = jnp.sum(hm * hm, axis=0)


def _pass1(x, xjf, W1p, b1):
    nb = P // EB
    d = x.shape[-1]
    return pl.pallas_call(
        _p1_body,
        grid=(B, nb),
        in_specs=[
            pl.BlockSpec((1, EB, d), lambda b, r: (b, r, 0)),
            pl.BlockSpec((1, EB * K32, d), lambda b, r: (b, r, 0)),
            pl.BlockSpec((2 * d, 64), lambda b, r: (0, 0)),
            pl.BlockSpec((1, 64), lambda b, r: (0, 0)),
        ],
        out_specs=[
            pl.BlockSpec((1, 1, 1, 64), lambda b, r: (b, r, 0, 0)),
            pl.BlockSpec((1, 1, 1, 64), lambda b, r: (b, r, 0, 0)),
        ],
        out_shape=[
            jax.ShapeDtypeStruct((B, nb, 1, 64), jnp.float32),
            jax.ShapeDtypeStruct((B, nb, 1, 64), jnp.float32),
        ],
    )(x, xjf, W1p, b1[None, :])


def _p2_body(x_ref, xj_ref, w1_ref, b1_ref, mu_ref, sv_ref, g_ref, be_ref,
             w2_ref, b2_ref, mx_ref, mn_ref, s_ref, q_ref):
    h = _edge_h1(x_ref[0], xj_ref[0], w1_ref[...], b1_ref[...])
    hn = (h - mu_ref[...]) / sv_ref[...] * g_ref[...] + be_ref[...]
    z = jax.lax.dot_general(hn, w2_ref[...], (((1,), (0,)), ((), ())),
                            preferred_element_type=jnp.float32) + b2_ref[...]
    h2 = jnp.maximum(z, 0.0)
    km = _kmask()
    h2m = jnp.where(km, h2, 0.0)
    s_ref[0, 0, 0] = jnp.sum(h2m, axis=0)
    q_ref[0, 0, 0] = jnp.sum(h2m * h2m, axis=0)
    h2r = h2.reshape(EB, K32, 64)
    km3 = jax.lax.broadcasted_iota(jnp.int32, (EB, K32, 1), 1) < K
    mx_ref[0] = jnp.max(jnp.where(km3, h2r, -jnp.inf), axis=1)
    mn_ref[0] = jnp.min(jnp.where(km3, h2r, jnp.inf), axis=1)


def _pass2(x, xjf, W1p, b1, mu1, sv1, g1, be1, W2, b2):
    nb = P // EB
    d = x.shape[-1]
    row = lambda v: v[None, :]
    return pl.pallas_call(
        _p2_body,
        grid=(B, nb),
        in_specs=[
            pl.BlockSpec((1, EB, d), lambda b, r: (b, r, 0)),
            pl.BlockSpec((1, EB * K32, d), lambda b, r: (b, r, 0)),
            pl.BlockSpec((2 * d, 64), lambda b, r: (0, 0)),
            pl.BlockSpec((1, 64), lambda b, r: (0, 0)),
            pl.BlockSpec((1, 64), lambda b, r: (0, 0)),
            pl.BlockSpec((1, 64), lambda b, r: (0, 0)),
            pl.BlockSpec((1, 64), lambda b, r: (0, 0)),
            pl.BlockSpec((1, 64), lambda b, r: (0, 0)),
            pl.BlockSpec((64, 64), lambda b, r: (0, 0)),
            pl.BlockSpec((1, 64), lambda b, r: (0, 0)),
        ],
        out_specs=[
            pl.BlockSpec((1, EB, 64), lambda b, r: (b, r, 0)),
            pl.BlockSpec((1, EB, 64), lambda b, r: (b, r, 0)),
            pl.BlockSpec((1, 1, 1, 64), lambda b, r: (b, r, 0, 0)),
            pl.BlockSpec((1, 1, 1, 64), lambda b, r: (b, r, 0, 0)),
        ],
        out_shape=[
            jax.ShapeDtypeStruct((B, P, 64), jnp.float32),
            jax.ShapeDtypeStruct((B, P, 64), jnp.float32),
            jax.ShapeDtypeStruct((B, nb, 1, 64), jnp.float32),
            jax.ShapeDtypeStruct((B, nb, 1, 64), jnp.float32),
        ],
    )(x, xjf, W1p, row(b1), row(mu1), row(sv1), row(g1), row(be1), W2, row(b2))


def _fin_body(x1_ref, x2_ref, x3_ref, w_ref, b_ref, h_ref, s_ref, q_ref):
    cat = jnp.concatenate([x1_ref[...], x2_ref[...], x3_ref[...]], axis=1)
    z = jax.lax.dot_general(cat, w_ref[...], (((1,), (0,)), ((), ())),
                            preferred_element_type=jnp.float32) + b_ref[...]
    h = jnp.maximum(z, 0.0)
    h_ref[...] = h
    s_ref[0] = jnp.sum(h, axis=0, keepdims=True)
    q_ref[0] = jnp.sum(h * h, axis=0, keepdims=True)


def _final(x1, x2, x3, W, b):
    n = x1.shape[0]
    blk = 512
    nb = n // blk
    return pl.pallas_call(
        _fin_body,
        grid=(nb,),
        in_specs=[
            pl.BlockSpec((blk, 64), lambda i: (i, 0)),
            pl.BlockSpec((blk, 64), lambda i: (i, 0)),
            pl.BlockSpec((blk, 64), lambda i: (i, 0)),
            pl.BlockSpec((192, 1024), lambda i: (0, 0)),
            pl.BlockSpec((1, 1024), lambda i: (0, 0)),
        ],
        out_specs=[
            pl.BlockSpec((blk, 1024), lambda i: (i, 0)),
            pl.BlockSpec((1, 1, 1024), lambda i: (i, 0, 0)),
            pl.BlockSpec((1, 1, 1024), lambda i: (i, 0, 0)),
        ],
        out_shape=[
            jax.ShapeDtypeStruct((n, 1024), jnp.float32),
            jax.ShapeDtypeStruct((nb, 1, 1024), jnp.float32),
            jax.ShapeDtypeStruct((nb, 1, 1024), jnp.float32),
        ],
    )(x1, x2, x3, W, b[None, :])


def _pad_w1(W1, d, dp):
    if d == dp:
        return W1
    z = jnp.zeros((dp - d, W1.shape[1]), W1.dtype)
    return jnp.concatenate([W1[:d], z, W1[d:], z], axis=0)


def _edge_conv(x, p, d):
    dp = x.shape[-1]
    idx = _topk(x)
    xj = jax.vmap(lambda t, i: t[i])(x, idx)
    xjf = xj.reshape(B, P * K32, dp)
    W1p = _pad_w1(p['W1'], d, dp)
    s1p, q1p = _pass1(x, xjf, W1p, p['b1'])
    nedge = B * P * K
    mu1 = jnp.sum(s1p, axis=(0, 1, 2)) / nedge
    var1 = jnp.sum(q1p, axis=(0, 1, 2)) / nedge - mu1 * mu1
    sv1 = jnp.sqrt(var1 + EPS)
    Mx, Mn, s2p, q2p = _pass2(x, xjf, W1p, p['b1'], mu1, sv1,
                              p['g1'], p['be1'], p['W2'], p['b2'])
    mu2 = jnp.sum(s2p, axis=(0, 1, 2)) / nedge
    var2 = jnp.sum(q2p, axis=(0, 1, 2)) / nedge - mu2 * mu2
    sv2 = jnp.sqrt(var2 + EPS)
    g2, be2 = p['g2'], p['be2']
    out = jnp.where(g2 >= 0.0,
                    (Mx - mu2) / sv2 * g2 + be2,
                    (Mn - mu2) / sv2 * g2 + be2)
    return out


def _xla_edge_conv(x, p):
    d2 = jnp.sum(x * x, axis=-1)
    dist = d2[:, :, None] + d2[:, None, :] - 2.0 * jnp.einsum(
        'bpd,bqd->bpq', x, x)
    idx = jax.lax.top_k(-dist, K)[1]
    xj = jax.vmap(lambda xb, ib: xb[ib])(x, idx)
    xi = jnp.broadcast_to(x[:, :, None, :], xj.shape)
    e = jnp.concatenate([xi, xj - xi], axis=-1).reshape(-1, 2 * x.shape[-1])
    h = jax.nn.relu(e @ p['W1'] + p['b1'])
    mu = jnp.mean(h, axis=0)
    var = jnp.var(h, axis=0)
    hn = (h - mu) / jnp.sqrt(var + EPS) * p['g1'] + p['be1']
    h2 = jax.nn.relu(hn @ p['W2'] + p['b2'])
    mu2 = jnp.mean(h2, axis=0)
    var2 = jnp.var(h2, axis=0)
    h2n = (h2 - mu2) / jnp.sqrt(var2 + EPS) * p['g2'] + p['be2']
    return jnp.max(h2n.reshape(B, P, K, 64), axis=2)


def kernel(pos, normal, params, batch):
    x0 = jnp.concatenate([pos, normal], axis=-1).reshape(B, P, 6)
    x1 = _xla_edge_conv(x0, params['c1'])
    x2 = _xla_edge_conv(x1, params['c2'])
    x3 = _edge_conv(x2, params['c3'], 64)
    lp = params['lin']
    h, sp, qp = _final(x1.reshape(B * P, 64), x2.reshape(B * P, 64),
                       x3.reshape(B * P, 64), lp['W'], lp['b'])
    n = B * P
    mu = jnp.sum(sp, axis=(0, 1)) / n
    var = jnp.sum(qp, axis=(0, 1)) / n - mu * mu
    out = (h - mu) / jnp.sqrt(var + EPS) * lp['g'] + lp['be']
    return out

# --- scband reference (transcript-rebuilt; emitter-appended) ---
"""Pipeline reference for scband-feature-extractor-84404697301282 (READ-ONLY COPY).

The authoritative reference and input builder live on the scoring server;
editing this copy changes nothing except your own understanding.
"""

import jax, jax.numpy as jnp
import numpy as np

B, P, K = 8, 2048, 30

def _mlp_block(x, W, b, g, be):
    h = jax.nn.relu(x @ W + b)
    mu = jnp.mean(h, axis=0)
    var = jnp.var(h, axis=0)
    return (h - mu) / jnp.sqrt(var + 1e-5) * g + be

def _edge_conv(x, p, k):
    # x: [B, P, d]; dynamic kNN graph on current features, per cloud
    d2 = jnp.sum(x * x, axis=-1)
    dist = d2[:, :, None] + d2[:, None, :] - 2.0 * jnp.einsum('bpd,bqd->bpq', x, x)
    idx = jax.lax.top_k(-dist, k)[1]  # [B, P, k] (includes self, matching PyG knn(x, x, k))
    xj = jax.vmap(lambda xb, ib: xb[ib])(x, idx)  # [B, P, k, d]
    xi = jnp.broadcast_to(x[:, :, None, :], xj.shape)
    e = jnp.concatenate([xi, xj - xi], axis=-1).reshape(-1, 2 * x.shape[-1])
    h = _mlp_block(e, p['W1'], p['b1'], p['g1'], p['be1'])
    h = _mlp_block(h, p['W2'], p['b2'], p['g2'], p['be2'])
    h = h.reshape(x.shape[0], x.shape[1], k, -1)
    return jnp.max(h, axis=2)  # aggr='max'

def _make_params(key):
    ks = jax.random.split(key, 16)
    def lin(k, i, o):
        return jax.random.normal(k, (i, o), dtype=jnp.float32) * (1.0 / np.sqrt(i))
    def conv(k0, k1, din):
        return {'W1': lin(k0, 2 * din, 64), 'b1': jnp.zeros((64,), jnp.float32),
                'g1': jnp.ones((64,), jnp.float32), 'be1': jnp.zeros((64,), jnp.float32),
                'W2': lin(k1, 64, 64), 'b2': jnp.zeros((64,), jnp.float32),
                'g2': jnp.ones((64,), jnp.float32), 'be2': jnp.zeros((64,), jnp.float32)}
    return {'c1': conv(ks[0], ks[1], 6), 'c2': conv(ks[2], ks[3], 64), 'c3': conv(ks[4], ks[5], 64),
            'lin': {'W': lin(ks[6], 192, 1024), 'b': jnp.zeros((1024,), jnp.float32),
                    'g': jnp.ones((1024,), jnp.float32), 'be': jnp.zeros((1024,), jnp.float32)}}

def setup_inputs(seed: int = 0):
    key = jax.random.key(seed)
    k1, k2, k3 = jax.random.split(key, 3)
    pos = jax.random.normal(k1, (B * P, 3), dtype=jnp.float32)
    normal = jax.random.normal(k2, (B * P, 3), dtype=jnp.float32)
    batch = jnp.repeat(jnp.arange(B, dtype=jnp.int64), P)
    params = _make_params(k3)
    return {'pos': pos, 'normal': normal, 'params': params, 'batch': batch}

def reference(pos, normal, params, batch):
    x0 = jnp.concatenate([pos, normal], axis=-1).reshape(B, P, 6)
    x1 = _edge_conv(x0, params['c1'], K)
    x2 = _edge_conv(x1, params['c2'], K)
    x3 = _edge_conv(x2, params['c3'], K)
    cat = jnp.concatenate([x1.reshape(B * P, 64), x2.reshape(B * P, 64), x3.reshape(B * P, 64)], axis=1)
    lp = params['lin']
    out = _mlp_block(cat, lp['W'], lp['b'], lp['g'], lp['be'])
    return out

if __name__ == "__main__":
    import jax
    _d = setup_inputs()
    print(jax.jit(kernel)(*tuple(_d.values())))

</pallas_src>

<mosaic_0001>
module attributes {stable_mosaic.version = 14 : i64} {
  func.func @_fin_body(%arg0: i32, %arg1: memref<512x64xf32, #tpu.memory_space<vmem>>, %arg2: memref<512x64xf32, #tpu.memory_space<vmem>>, %arg3: memref<512x64xf32, #tpu.memory_space<vmem>>, %arg4: memref<192x1024xf32, #tpu.memory_space<vmem>>, %arg5: memref<1x1024xf32, #tpu.memory_space<vmem>>, %arg6: memref<512x1024xf32, #tpu.memory_space<vmem>>, %arg7: memref<1x1x1024xf32, #tpu.memory_space<vmem>>, %arg8: memref<1x1x1024xf32, #tpu.memory_space<vmem>>) attributes {dimension_semantics = [#tpu.dimension_semantics<arbitrary>], iteration_bounds = array<i64: 32>, scalar_prefetch = 0 : i64, scratch_operands = 0 : i64, tpu.core_type = #tpu.core_type<tc>, window_params = [{transform_indices = @transform_0, window_bounds = array<i64: 512, 64>}, {transform_indices = @transform_1, window_bounds = array<i64: 512, 64>}, {transform_indices = @transform_2, window_bounds = array<i64: 512, 64>}, {pipeline_mode = #tpu.pipeline_mode<synchronous>, transform_indices = @transform_3, window_bounds = array<i64: 192, 1024>}, {pipeline_mode = #tpu.pipeline_mode<synchronous>, transform_indices = @transform_4, window_bounds = array<i64: 1, 1024>}, {transform_indices = @transform_5, window_bounds = array<i64: 512, 1024>}, {transform_indices = @transform_6, window_bounds = array<i64: 1, 1, 1024>}, {transform_indices = @transform_7, window_bounds = array<i64: 1, 1, 1024>}]} {
    %get3A = arith.constant 0 : index
    %get3A_0 = arith.constant 0 : index
    %get3A_1 = vector.load %arg1[%get3A, %get3A_0] : memref<512x64xf32, #tpu.memory_space<vmem>>, vector<512x64xf32>
    %get3A_2 = arith.constant 0 : index
    %get3A_3 = arith.constant 0 : index
    %get3A_4 = vector.load %arg2[%get3A_2, %get3A_3] : memref<512x64xf32, #tpu.memory_space<vmem>>, vector<512x64xf32>
    %get3A_5 = arith.constant 0 : index
    %get3A_6 = arith.constant 0 : index
    %get3A_7 = vector.load %arg3[%get3A_5, %get3A_6] : memref<512x64xf32, #tpu.memory_space<vmem>>, vector<512x64xf32>
    %concatenate3A = tpu.concatenate %get3A_1, %get3A_4, %get3A_7 in 1 : vector<512x64xf32>, vector<512x64xf32>, vector<512x64xf32> -> vector<512x192xf32>
    %get3A_8 = arith.constant 0 : index
    %get3A_9 = arith.constant 0 : index
    %get3A_10 = vector.load %arg4[%get3A_8, %get3A_9] : memref<192x1024xf32, #tpu.memory_space<vmem>>, vector<192x1024xf32>
    %dot_general3A = arith.constant dense<0.000000e+00> : vector<512x1024xf32>
    %dot_general3A_11 = tpu.matmul %concatenate3A, %get3A_10, %dot_general3A {dimension_numbers = #tpu.dot_dimension_numbers<[1], [0], [0], [1], [0, 0, 1, 1], [], []>, transpose_lhs_hint = false} : vector<512x192xf32>, vector<192x1024xf32>, vector<512x1024xf32> -> vector<512x1024xf32>
    %get3A_12 = arith.constant 0 : index
    %get3A_13 = arith.constant 0 : index
    %get3A_14 = vector.load %arg5[%get3A_12, %get3A_13] : memref<1x1024xf32, #tpu.memory_space<vmem>>, vector<1x1024xf32>
    %add3A = vector.broadcast %get3A_14 : vector<1x1024xf32> to vector<512x1024xf32>
    %add3A_15 = arith.addf %dot_general3A_11, %add3A : vector<512x1024xf32>
    %max3A = arith.constant 0.000000e+00 : f32
    %max3A_16 = vector.broadcast %max3A : f32 to vector<512x1024xf32>
    %max3A_17 = arith.maximumf %add3A_15, %max3A_16 : vector<512x1024xf32>
    %swap3A = arith.constant 0 : index
    %swap3A_18 = arith.constant 0 : index
    %swap3A_19 = vector.load %arg6[%swap3A, %swap3A_18] : memref<512x1024xf32, #tpu.memory_space<vmem>>, vector<512x1024xf32>
    tpu.vector_store %arg6[%swap3A, %swap3A_18], %max3A_17 {strides = array<i32>} : memref<512x1024xf32, #tpu.memory_space<vmem>>, vector<512x1024xf32>,
    %reduce_sum3A = arith.constant dense<0.000000e+00> : vector<1024xf32>
    %reduce_sum3A_20 = vector.multi_reduction <add>, %max3A_17, %reduce_sum3A [0] : vector<512x1024xf32> to vector<1024xf32>
    %broadcast_in_dim3A = vector.shape_cast %reduce_sum3A_20 : vector<1024xf32> to vector<1x1024xf32>
    %swap3A_21 = arith.constant 0 : index
    %swap3A_22 = arith.constant 0 : index
    %swap3A_23 = arith.constant 0 : index
    %swap3A_24 = vector.load %arg7[%swap3A_21, %swap3A_22, %swap3A_23] : memref<1x1x1024xf32, #tpu.memory_space<vmem>>, vector<1x1x1024xf32>
    %swap3A_25 = vector.shape_cast %swap3A_24 : vector<1x1x1024xf32> to vector<1x1024xf32>
    %swap3A_26 = vector.shape_cast %broadcast_in_dim3A : vector<1x1024xf32> to vector<1x1x1024xf32>
    tpu.vector_store %arg7[%swap3A_21, %swap3A_22, %swap3A_23], %swap3A_26 {strides = array<i32>} : memref<1x1x1024xf32, #tpu.memory_space<vmem>>, vector<1x1x1024xf32>,
    %mul3A = arith.mulf %max3A_17, %max3A_17 : vector<512x1024xf32>
    %reduce_sum3A_27 = arith.constant dense<0.000000e+00> : vector<1024xf32>
    %reduce_sum3A_28 = vector.multi_reduction <add>, %mul3A, %reduce_sum3A_27 [0] : vector<512x1024xf32> to vector<1024xf32>
    %broadcast_in_dim3A_29 = vector.shape_cast %reduce_sum3A_28 : vector<1024xf32> to vector<1x1024xf32>
    %swap3A_30 = arith.constant 0 : index
    %swap3A_31 = arith.constant 0 : index
    %swap3A_32 = arith.constant 0 : index
    %swap3A_33 = vector.load %arg8[%swap3A_30, %swap3A_31, %swap3A_32] : memref<1x1x1024xf32, #tpu.memory_space<vmem>>, vector<1x1x1024xf32>
    %swap3A_34 = vector.shape_cast %swap3A_33 : vector<1x1x1024xf32> to vector<1x1024xf32>
    %swap3A_35 = vector.shape_cast %broadcast_in_dim3A_29 : vector<1x1024xf32> to vector<1x1x1024xf32>
    tpu.vector_store %arg8[%swap3A_30, %swap3A_31, %swap3A_32], %swap3A_35 {strides = array<i32>} : memref<1x1x1024xf32, #tpu.memory_space<vmem>>, vector<1x1x1024xf32>,
    return
  }
  func.func @transform_0(%arg0: i32) -> (i32, i32) {
    %c0_i32 = arith.constant 0 : i32
    %c0_i32_0 = arith.constant 0 : i32
    return %arg0, %c0_i32 : i32, i32
  }
  func.func @transform_1(%arg0: i32) -> (i32, i32) {
    %c0_i32 = arith.constant 0 : i32
    %c0_i32_0 = arith.constant 0 : i32
    return %arg0, %c0_i32 : i32, i32
  }
  func.func @transform_2(%arg0: i32) -> (i32, i32) {
    %c0_i32 = arith.constant 0 : i32
    %c0_i32_0 = arith.constant 0 : i32
    return %arg0, %c0_i32 : i32, i32
  }
  func.func @transform_3(%arg0: i32) -> (i32, i32) {
    %c0_i32 = arith.constant 0 : i32
    %c0_i32_0 = arith.constant 0 : i32
    %c0_i32_1 = arith.constant 0 : i32
    return %c0_i32, %c0_i32_0 : i32, i32
  }
  func.func @transform_4(%arg0: i32) -> (i32, i32) {
    %c0_i32 = arith.constant 0 : i32
    %c0_i32_0 = arith.constant 0 : i32
    %c0_i32_1 = arith.constant 0 : i32
    return %c0_i32, %c0_i32_0 : i32, i32
  }
  func.func @transform_5(%arg0: i32) -> (i32, i32) {
    %c0_i32 = arith.constant 0 : i32
    %c0_i32_0 = arith.constant 0 : i32
    return %arg0, %c0_i32 : i32, i32
  }
  func.func @transform_6(%arg0: i32) -> (i32, i32, i32) {
    %c0_i32 = arith.constant 0 : i32
    %c0_i32_0 = arith.constant 0 : i32
    %c0_i32_1 = arith.constant 0 : i32
    return %arg0, %c0_i32, %c0_i32_0 : i32, i32, i32
  }
  func.func @transform_7(%arg0: i32) -> (i32, i32, i32) {
    %c0_i32 = arith.constant 0 : i32
    %c0_i32_0 = arith.constant 0 : i32
    %c0_i32_1 = arith.constant 0 : i32
    return %arg0, %c0_i32, %c0_i32_0 : i32, i32, i32
  }
}

</mosaic_0001>

<sc_bundles>
// kernel: sparse-core-data-format-call.1.cloned.1.call-start
scs
called_computation.1_lowered:
.L_overlay_start_0:
0x0: {  	s1 =	sld [smem:$0x3FD9]  }
0x1: {  	s2 =	sld [smem:$0x3FFE];
	_ =	sdelay $0x1  }
0x2: {  	s3 =	srdreg.scid  }
0x3: {  	s0 =	sand.u32 $0x1, s3  }
0x4: {  	s17 =	sshll.u32 s0, $0xA;
	s1 =	sadd.s32 s2, s1  }
0x5: {  	s1 =	sadd.s32 s1, s17  }
0x6: {  	[smem:$0x3FAA] =	sst s1  }
0x7: {  	_ = 	snop  }
0x8: {  	(tm) =	ssettm $0x1  }
0x9: {  	s18 =	sld [smem:$0x3FFB];
	_ =	sdelay $0x3  }
0xa: {  	_ =	strace s18  }
0xb: {  	s1 =	sld [smem:$0x3FFC];
	_ =	sdelay $0x3  }
0xc: {  	_ =	strace s1  }
0xd: {  	s1 =	sld [smem:$0x3FFD];
	_ =	sdelay $0x3  }
0xe: {  	_ =	strace s1  }
0xf: {  	_ =	strace $0x8FFFFFFF  }
0x10: {  	s19 =	sld [smem:$0x3FDB];
	_ =	sdelay $0x1  }
0x11: {  	s20 =	simm.s32 $_scs_section_size  }
0x12: {  	s4 =	simm.s32 $_size__tile_overlayer_lowered;
	s5 =	simm.s32 $_tile_overlayer_lowered  }
0x13: {  	s23 =	simm.s32 $0x1BFF;
	s22 =	sshll.u32 s5, $0x1;
	s1 =	sadd.s32 s20, s19  }
0x14: {  	s6 =	simm.s32 $0x0;
	s21 =	sshll.u32 s4, $0x1;
	s4 =	sadd.s32 s22, s1  }
0x15: {  	[timem:s6], [sflag:s23] =	dma.local [hbm:s4], s21  }
0x16: {  	_ =	swait.ge [sflag:s23], s21  }
0x17: {  	s2 =	ssub.s32 $0x0, s21;
	[sflag:s23] =	ssyncset.done $0x0  }
0x18: {  	[sflag:s23] =	ssyncadd.s32 s2;
	_ =	sdelay $0x1  }
0x19: {  	s24 =	simm.s32 $0x1B8B  }
0x1a: {  	_ =	swait.ge [sflag:s24], $0x1  }
0x1b: {  	[sflag:s24] =	ssyncset.done $0x0  }
0x1c: {  	s26 =	simm.s32 $0x1B8E;
	s25 =	sld [smem:$0x3FFE];
	[sflag:s24] =	ssyncadd.s32 $0xFFFFFFFF  }
0x1d: {  	s27 =	simm.s32 $execute0_lowered;
	[smem:$0x3FD2] =	sst s26  }
0x1e: {  	s4 =	sshll.u32 s27, $0x1;
	_ =	strace $0x8000004F;
	[dreg:$0x1] =	wrdreg $0xFFFFFFFF  }
0x1f: {  	s28 =	simm.s32 $_size_execute0_lowered;
	s1 =	sadd.s32 s1, s4;
	[dreg:$0x0] =	wrdreg $0x0  }
0x20: {  	s4 =	sshll.u32 s28, $0x1;
	[dreg:$0x2] =	wrdreg s1  }
0x21: {  	[dreg:$0x3] =	wrdreg s4  }
0x22: {  	[dreg:$0x4] =	wrdreg $0xC0  }
0x23: {  	_ =	task [dreg:s6], $0x5FFFF  }
0x24: {  	[dreg:$0x1] =	wrdreg $0xFFFFFFFF  }
0x25: {  	[dreg:$0x0] =	wrdreg $0x60  }
0x26: {  	[dreg:$0x2] =	wrdreg s25  }
0x27: {  	[dreg:$0x3] =	wrdreg $0x9  }
0x28: {  	_ =	task.clear_ibuf [dreg:s6], $0x4FFFF;
	_ =	strace $0x9000004F  }
0x29: {  	s29 =	simm.s32 $0x9;
	_ =	strace $0x80000051  }
0x2a: {  	_ =	swait.ge [sflag:s29], $0x1  }
0x2b: {  	[sflag:s29] =	ssyncadd.s32 $0xFFFFFFFF  }
0x2c: {  	_ =	strace $0x90000051  }
0x2d: {  	_ =	sfence  }
0x2e: {  	s30 =	sld [smem:$0x0];
	_ =	sdelay $0x2  }
0x2f: {  	s31 =	sshll.u32 s3, $0xD;
	s3 =	sshrl.u32 s3, $0x2  }
0x30: {  	s2 =	sand.u32 $0x4000, s31;
	s1 =	sadd.s32 s3, s30  }
0x31: {  	s0 =	sor.u32 s2, s0;
	s1 =	sshll.u32 s1, $0x11  }
0x32: {  	s0 =	sor.u32 s1, s0  }
0x33: {  	s0 =	sadd.s32 $0x8F2B, s0  }
0x34: {  	[sflag:s0] =	ssyncadd.remote.s32 $0x1  }
0x35: {  	_ =	sfence.sel $0xFFFF  }
0x36: {  	[dreg:$0x0] =	wrdreg $0xFFFFFFFF;
	(pc) =	sbr.abs _section_cstart, $3  }
0x37: {  	[dreg:$0x1] =	wrdreg $0xFFFFFFFF  }
0x38: {  	_ =	task.clear_ibuf [dreg:s6], $0x2FFFF;
	_ =	strace $0x9FFFFFFF  }
0x39: {  	(tm) =	ssettm $0x7FFFFFFF  }
tec
execute0_lowered:
.L_overlay_start_1:
0x0: {  	(tag) =	ssettag $0x1  }
0x1: {  	s0 =	srdreg.scid  }
0x2: {  	s6 =	rddreg [dreg:$0x0];
	s7 =	simm.s32 $0x1;
	s1 =	sshll.u32 s0, $0x4  }
0x3: {  	s8 =	simm.s32 $0x2;
	s0 =	stileid.u32;
	s1 =	sand.u32 $0x10, s1  }
0x4: {  	s13 =	simm.s32 $0x0;
	s12 =	simm.s32 $0x0;
	s1 =	sor.u32 s0, s1  }
0x5: {  	s10 =	simm.s32 $0x0;
	s11 =	simm.s32 $0x0;
	s2 =	sshll.u32 s1, $0x8  }
0x6: {  	s3 =	sadd.s32 $0x7C0000, s6;
	s6 =	sadd.s32 $0xB80000, s6;
	s5 =	ssub.s32 $0x78000, s2  }
.Ltmp0:
0x7: {  	s1 =	rddreg [dreg:$0x1];
	s4 =	sand.u32 $0x1F00, s5;
	(pc) =	sbr.rel .LBB1_1-.Ltmp0, $4  }
0x8: {  	_ =	strace $0x80000050;
	s9 =	smov.u32 s2;
	p0 =	sne.s32 s4, $0x0  }
0x9: {  	s5 =	sshrl.u32 s5, $0xD;
	s4 =	simm.s32 $0x1;
	s7 =	simm.s32 @!p0 $0x0  }
0xa: {  	[sflag:s4] =	ssyncpa.u1 $0x0;
	p0 =	por $0x0, $0x0;
	s5 =	sadd.s32 s7, s5  }
0xb: {  	[sflag:s8] =	ssyncpa.u1 $0x0;
	s8 =	simm.s32 $0x80;
	s7 =	sadd.s32 $0x1, s5  }
.LBB1_4:
0xc: {  	_ =	sdelay $0x3  }
0xd: {  	s21 =	sor.u32 s24, s23;
	v47 =	vld.idx.msk [tilespmem:v0+s16+$0x470 ss:$0x1], $0xffff  }
0xe: {  	v57 =	vld.idx.msk [tilespmem:v0+s21+$0x410 ss:$0x1], $0xffff  }
0xf: {  	v58 =	vld.idx.msk [tilespmem:v0+s21+$0x420 ss:$0x1], $0xffff  }
0x10: {  	[tilespmem:s18+$0x1860 ss:$0x41] =	vst.msk $0xffff, v8;
	v59 =	vld.idx.msk [tilespmem:v0+s21+$0x430 ss:$0x1], $0xffff  }
0x11: {  	[tilespmem:s18+$0x1C70 ss:$0x41] =	vst.msk $0xffff, v7;
	v60 =	vld.idx.msk [tilespmem:v0+s21+$0x440 ss:$0x1], $0xffff  }
0x12: {  	[tilespmem:s18+$0x2490 ss:$0x41] =	vst.msk $0xffff, v1;
	s22 =	sand.u32 $0x3B00, s21;
	v61 =	vld.idx.msk [tilespmem:v0+s21+$0x450 ss:$0x1], $0xffff  }
0x13: {  	s20 =	sand.u32 $0x80, s20;
	[tilespmem:s18+$0x28A0 ss:$0x41] =	vst.msk $0xffff, v2;
	v62 =	vld.idx.msk [tilespmem:v0+s21+$0x460 ss:$0x1], $0xffff;
	s15 =	sadd.s32 s22, s15  }
0x14: {  	[tilespmem:s18+$0x2CB0 ss:$0x41] =	vst.msk $0xffff, v3;
	v63 =	vld.idx.msk [tilespmem:v0+s21+$0x470 ss:$0x1], $0xffff;
	s15 =	sadd.s32 s20, s15  }
0x15: {  	[tilespmem:s18+$0x30C0 ss:$0x41] =	vst.msk $0xffff, v4;
	v48 =	vld [tilespmem:s15+$0x400]  }
0x16: {  	[tilespmem:s18+$0x34D0 ss:$0x41] =	vst.msk $0xffff, v5;
	v49 =	vld [tilespmem:s15+$0x0]  }
0x17: {  	s25 =	sshra.s32 s19, $0x2;
	[tilespmem:s18+$0x38E0 ss:$0x41] =	vst.msk $0xffff, v6;
	v50 =	vld [tilespmem:s15+$0x10]  }
0x18: {  	s16 =	sadd.s32 s25, s17;
	v51 =	vld [tilespmem:s15+$0x20];
	[tilespmem:s18+$0x3CF0 ss:$0x41] =	vst.msk $0xffff, v47  }
0x19: {  	v52 =	vld [tilespmem:s15+$0x30];
	[tilespmem:s16+$0x2490 ss:$0x41] =	vst.msk $0xffff, v57  }
0x1a: {  	v53 =	vld [tilespmem:s15+$0x40];
	[tilespmem:s16+$0x28A0 ss:$0x41] =	vst.msk $0xffff, v58  }
0x1b: {  	v54 =	vld [tilespmem:s15+$0x50];
	[tilespmem:s16+$0x2CB0 ss:$0x41] =	vst.msk $0xffff, v59  }
0x1c: {  	s13 =	sshll.u32 s13, $0x7;
	s26 =	sshll.u32 s12, $0x3;
	v55 =	vld [tilespmem:s15+$0x60];
	[tilespmem:s16+$0x30C0 ss:$0x41] =	vst.msk $0xffff, v60  }
0x1d: {  	s27 =	sand.u32 $0xFFFFFC00, s13;
	v56 =	vld [tilespmem:s15+$0x70];
	s15 =	sand.u32 $0xFFFFFC00, s26;
	[tilespmem:s16+$0x34D0 ss:$0x41] =	vst.msk $0xffff, v61  }
0x1e: {  	s13 =	sand.u32 $0x380, s13;
	s15 =	sadd.s32 s15, s27;
	[tilespmem:s16+$0x38E0 ss:$0x41] =	vst.msk $0xffff, v62  }
0x1f: {  	s13 =	sor.u32 s13, s15;
	[tilespmem:s16+$0x3CF0 ss:$0x41] =	vst.msk $0xffff, v63  }
0x20: {  	s13 =	sshrl.u32 s13, $0x7;
	[tilespmem:s16+$0x2080 ss:$0x41] =	vst.msk $0xffff, v48  }
0x21: {  	s28 =	smulhi.u32 $0x2222223, s13;
	[tilespmem:s16+$0x0 ss:$0x41] =	vst.msk $0xffff, v49  }
0x22: {  	[tilespmem:s16+$0x410 ss:$0x41] =	vst.msk $0xffff, v50  }
0x23: {  	[tilespmem:s16+$0x820 ss:$0x41] =	vst.msk $0xffff, v51;
	s15 =	sshrl.u32 s28, $0xC  }
0x24: {  	[tilespmem:s16+$0xC30 ss:$0x41] =	vst.msk $0xffff, v52;
	s15 =	smul.u32 $0x78000, s15  }
0x25: {  	s29 =	sshrl.u32 s12, $0x3;
	[tilespmem:s16+$0x1040 ss:$0x41] =	vst.msk $0xffff, v53  }
0x26: {  	s31 =	sand.u32 $0x7, s12;
	s30 =	sand.u32 $0xF, s29;
	[tilespmem:s16+$0x1450 ss:$0x41] =	vst.msk $0xffff, v54;
	s13 =	ssub.s32 s13, s15  }
0x27: {  	s12 =	sshll.u32 s31, $0x12;
	[tilespmem:s16+$0x1860 ss:$0x41] =	vst.msk $0xffff, v55;
	s15 =	sadd.s32 s6, s30;
	s13 =	sshll.u32 s13, $0x4  }
0x28: {  	s12 =	sor.u32 $0x40, s12;
	[tilespmem:s16+$0x1C70 ss:$0x41] =	vst.msk $0xffff, v56;
	s13 =	sadd.s32 s13, s15  }
0x29: {  	[hbm4b:s13+s12] =	stream.strided.scatter [tilespmem:s14], [sflag:$0x2], $0x4000, s8, s12, $0x18;
	[tilespmem:$0x10200] =	vst v63  }
.LBB1_5:
0x2a: {  	s14 =	sadd.s32 $0x2000, s9  }
0x2b: {  	s12 =	sadd.s32 $0x40, s10;
	s16 =	smov.u32 s10;
	p2 =	sgt.s32 s14, $0x77FFF  }
0x2c: {  	s16 =	smov.u32 @p2 s12  }
0x2d: {  	s14 =	smov.u32 @p2 s2;
	p2 =	sgt.s32 s16, $0x3F  }
0x2e: {  	s16 =	simm.s32 @p2 $0x0;
	p2 =	sne.s32 s11, s7  }
.Ltmp1:
0x2f: {  	p1 =	slt.u32 s11, $0x2;
	(pc) =	sbr.rel @!p2 .LBB1_6-.Ltmp1, $4  }
0x30: {  	s15 =	simm.s32 @!p1 $0x2  }
0x31: {  	s13 =	smov.u32 s9;
	p0 =	por !p0, !p0;
	_ =	swait.ge @!p1 [sflag:s15], $0x4000  }
0x32: {  	s12 =	smov.u32 s10;
	[sflag:s15] =	ssyncset.done @!p1 $0x0;
	s9 =	smov.u32 s14  }
0x33: {  	s11 =	sadd.s32 $0x1, s11;
	[sflag:s15] =	ssyncadd.s32 @!p1 $0xFFFFC000;
	s10 =	smov.u32 s16  }
.LBB1_1:
0x34: {  	p1 =	sge.u32 s11, s5  }
0x35: {  	s14 =	sshrl.u32 @!p1 s10, $0x3  }
0x36: {  	s15 =	sshll.u32 @!p1 s9, $0x3;
	s16 =	sshll.u32 @!p1 s10, $0x7;
	s14 =	smul.u32 @!p1 $0x3C0000, s14  }
0x37: {  	s17 =	sand.u32 @!p1 $0x7F, s9;
	s15 =	sand.u32 @!p1 $0xFFFFFC00, s15;
	s16 =	sand.u32 @!p1 $0x380, s16  }
0x38: {  	s14 =	sadd.s32 @!p1 s14, s15;
	s15 =	sor.u32 @!p1 s17, s16  }
0x39: {  	s15 =	sor.u32 @!p1 s14, s15  }
0x3a: {  	s16 =	smulhi.u32 @!p1 $0x88888889, s15;
	_ =	sdelay $0x1  }
0x3b: {  	s14 =	smulhi.u32 @!p1 $0x88888889, s14;
	s16 =	sshrl.u32 @!p1 s16, $0x12  }
0x3c: {  	s16 =	smul.u32 @!p1 $0x78000, s16  }
0x3d: {  	s31 =	sadd.s32 $0xFFFFFFFF, s11;
	s17 =	sxor.u32 @!p1 $0xFFFFFFFF, s11;
	s14 =	sshrl.u32 @!p1 s14, $0x12  }
0x3e: {  	s17 =	sshll.u32 @!p1 s17, $0xE;
	s14 =	sand.u32 @!p1 $0x3F, s14;
	s15 =	ssub.s32 @!p1 s15, s16  }
0x3f: {  	s14 =	smul.u32 @!p1 $0xF000, s14;
	s16 =	sshrl.u32 @!p1 s15, $0x3;
	s15 =	sand.u32 @!p1 $0x7, s15  }
0x40: {  	s17 =	sand.u32 @!p1 $0x4000, s17;
	s16 =	sadd.s32 @!p1 s3, s16;
	s15 =	sshll.u32 @!p1 s15, $0x12  }
0x41: {  	s14 =	sadd.s32 @!p1 s14, s16;
	s15 =	sor.u32 @!p1 $0x800, s15;
	s16 =	simm.s32 @!p1 $0x3C0000  }
0x42: {  	[tilespmem:s17], [sflag:$0x1] =	stream.strided.gather @!p1 [hbm4b:s14+s15], $0x4000, s16, s15, $0x38;
	[tilespmem:$0x10200] =	vst v63  }
0x43: {  	p1 =	sge.u32 s31, s5  }
.Ltmp2:
0x44: {  	_ = 	snop;
	(pc) =	sbr.rel @p1 .LBB1_5-.Ltmp2, $1  }
0x45: {  	_ =	sdelay $0x3  }
0x46: {  	s17 =	simm.s32 $0x0  }
0x47: {  	s16 =	sand.u32 $0x3800, s17;
	s18 =	sand.u32 $0x380, s17  }
0x48: {  	s14 =	sand.u32 $0x1, s11;
	s16 =	sor.u32 s18, s16  }
0x49: {  	_ =	swait.ge [sflag:s4], $0x4000;
	s15 =	sshll.u32 s14, $0xE;
	s18 =	sand.u32 $0x3B00, s16  }
0x4a: {  	[sflag:s4] =	ssyncset.done $0x0;
	s17 =	sand.u32 $0x80, s17;
	s18 =	sadd.s32 s18, s15  }
0x4b: {  	[sflag:s4] =	ssyncadd.s32 $0xFFFFC000;
	s20 =	sadd.s32 s17, s18  }
0x4c: {  	v4 =	vld [tilespmem:s20+$0x400]  }
0x4d: {  	s19 =	simm.s32 $0x1;
	v5 =	vld [tilespmem:s20+$0x0]  }
0x4e: {  	s19 =	simm.s32 @!p0 $0x0;
	v6 =	vld [tilespmem:s20+$0x10]  }
0x4f: {  	v0 =	vmov s15;
	s31 =	smul.u32 $0x10400, s19;
	v7 =	vld [tilespmem:s20+$0x20]  }
0x50: {  	v9 =	vld [tilespmem:s20+$0x30]  }
0x51: {  	s17 =	sshrl.u32 s31, $0x2;
	v10 =	vld [tilespmem:s20+$0x40]  }
0x52: {  	s17 =	sor.u32 $0x8000, s17;
	v11 =	vld [tilespmem:s20+$0x50]  }
0x53: {  	v8 =	vld [tilespmem:s20+$0x60];
	s18 =	sadd.s32 $0x0, s17  }
0x54: {  	v1 =	vld.idx.msk [tilespmem:v0+s16+$0x410 ss:$0x1], $0xffff;
	[tilespmem:s18+$0x2080 ss:$0x41] =	vst.msk $0xffff, v4  }
0x55: {  	v2 =	vld.idx.msk [tilespmem:v0+s16+$0x420 ss:$0x1], $0xffff;
	[tilespmem:s18+$0x0 ss:$0x41] =	vst.msk $0xffff, v5  }
0x56: {  	v3 =	vld.idx.msk [tilespmem:v0+s16+$0x430 ss:$0x1], $0xffff;
	[tilespmem:s18+$0x410 ss:$0x41] =	vst.msk $0xffff, v6  }
0x57: {  	s14 =	smul.u32 $0x10400, s14;
	[tilespmem:s18+$0x820 ss:$0x41] =	vst.msk $0xffff, v7;
	v7 =	vld [tilespmem:s20+$0x70]  }
0x58: {  	s21 =	simm.s32 $0x100;
	s22 =	simm.s32 $0x8;
	[tilespmem:s18+$0xC30 ss:$0x41] =	vst.msk $0xffff, v9;
	v4 =	vld.idx.msk [tilespmem:v0+s16+$0x440 ss:$0x1], $0xffff  }
0x59: {  	s23 =	sand.u32 $0x3800, s21;
	s14 =	sshrl.u32 s14, $0x2;
	[tilespmem:s18+$0x1040 ss:$0x41] =	vst.msk $0xffff, v10;
	v5 =	vld.idx.msk [tilespmem:v0+s16+$0x450 ss:$0x1], $0xffff;
	s20 =	simm.s32 $0x80  }
0x5a: {  	s19 =	simm.s32 $0x4;
	s14 =	sor.u32 $0x8000, s14;
	[tilespmem:s18+$0x1450 ss:$0x41] =	vst.msk $0xffff, v11;
	v6 =	vld.idx.msk [tilespmem:v0+s16+$0x460 ss:$0x1], $0xffff;
	s24 =	sand.u32 $0x380, s20  }
.LBB1_3:
0x5b: {  	p1 =	sne.s32 s22, $0xFC;
	[tilespmem:s18+$0x1860 ss:$0x41] =	vst.msk $0xffff, v8;
	v8 =	vld.idx.msk [tilespmem:v0+s16+$0x470 ss:$0x1], $0xffff;
	s16 =	sor.u32 s24, s23  }
0x5c: {  	s23 =	sand.u32 $0x3B00, s16;
	v9 =	vld.idx.msk [tilespmem:v0+s16+$0x410 ss:$0x1], $0xffff;
	[tilespmem:s18+$0x1C70 ss:$0x41] =	vst.msk $0xffff, v7  }
0x5d: {  	s24 =	sand.u32 $0x80, s20;
	s23 =	sadd.s32 s23, s15;
	v7 =	vld.idx.msk [tilespmem:v0+s16+$0x420 ss:$0x1], $0xffff;
	[tilespmem:s18+$0x2490 ss:$0x41] =	vst.msk $0xffff, v1  }
0x5e: {  	s23 =	sadd.s32 s24, s23;
	v10 =	vld.idx.msk [tilespmem:v0+s16+$0x430 ss:$0x1], $0xffff;
	[tilespmem:s18+$0x28A0 ss:$0x41] =	vst.msk $0xffff, v2  }
0x5f: {  	v11 =	vld [tilespmem:s23+$0x400];
	[tilespmem:s18+$0x2CB0 ss:$0x41] =	vst.msk $0xffff, v3  }
0x60: {  	v12 =	vld [tilespmem:s23+$0x0];
	[tilespmem:s18+$0x30C0 ss:$0x41] =	vst.msk $0xffff, v4  }
0x61: {  	v4 =	vld [tilespmem:s23+$0x10];
	[tilespmem:s18+$0x34D0 ss:$0x41] =	vst.msk $0xffff, v5  }
0x62: {  	s24 =	sshra.s32 s19, $0x2;
	s19 =	smov.u32 s22;
	v1 =	vmov v9;
	v5 =	vld [tilespmem:s23+$0x20];
	[tilespmem:s18+$0x38E0 ss:$0x41] =	vst.msk $0xffff, v6  }
0x63: {  	v2 =	vmov v7;
	v6 =	vld [tilespmem:s23+$0x30];
	[tilespmem:s18+$0x3CF0 ss:$0x41] =	vst.msk $0xffff, v8;
	s18 =	sadd.s32 s24, s17  }
0x64: {  	v3 =	vmov v10;
	v9 =	vld [tilespmem:s23+$0x40];
	[tilespmem:s18+$0x2080 ss:$0x41] =	vst.msk $0xffff, v11  }
0x65: {  	[tilespmem:s18+$0x0 ss:$0x41] =	vst.msk $0xffff, v12;
	v10 =	vld [tilespmem:s23+$0x50]  }
.Ltmp3:
0x66: {  	[tilespmem:s18+$0x410 ss:$0x41] =	vst.msk $0xffff, v4;
	v8 =	vld [tilespmem:s23+$0x60];
	(pc) =	sbr.rel @p1 .LBB1_3-.Ltmp3, $4  }
0x67: {  	[tilespmem:s18+$0x820 ss:$0x41] =	vst.msk $0xffff, v5;
	v7 =	vld [tilespmem:s23+$0x70]  }
0x68: {  	[tilespmem:s18+$0xC30 ss:$0x41] =	vst.msk $0xffff, v6;
	v4 =	vld.idx.msk [tilespmem:v0+s16+$0x440 ss:$0x1], $0xffff  }
0x69: {  	s20 =	sadd.s32 $0x80, s20;
	s21 =	sadd.s32 $0x100, s21;
	[tilespmem:s18+$0x1040 ss:$0x41] =	vst.msk $0xffff, v9;
	v5 =	vld.idx.msk [tilespmem:v0+s16+$0x450 ss:$0x1], $0xffff  }
0x6a: {  	s22 =	sadd.s32 $0x4, s22;
	s24 =	sand.u32 $0x380, s20;
	s23 =	sand.u32 $0x3800, s21;
	[tilespmem:s18+$0x1450 ss:$0x41] =	vst.msk $0xffff, v10;
	v6 =	vld.idx.msk [tilespmem:v0+s16+$0x460 ss:$0x1], $0xffff  }
.Ltmp4:
0x6b: {  	_ = 	snop;
	(pc) =	sbr.rel .LBB1_4-.Ltmp4, $1  }
0x6c: {  	_ =	sdelay $0x3  }
.LBB1_6:
0x6d: {  	_ =	sfence.sel $0x180000  }
0x6e: {  	s2 =	simm.s32 $0x1;
	[bflag:$0x0] =	sbarrier.arrive $0xFFFF  }
0x6f: {  	s31 =	simm.s32 $0x2;
	[sflag:s2] =	ssyncpa.u1 $0x1  }
0x70: {  	[sflag:s31] =	ssyncpa.u1 $0x1  }
0x71: {  	p0 =	sne.s32 s0, $0x0;
	_ =	strace $0x90000050  }
0x72: {  	s0 =	sadd.s32 @!p0 $0x100000, s1;
	[bflag:$0x2] =	sbarrier.arrive $0xFFFF  }
0x73: {  	[sflag:s0] =	ssyncadd.tile.s32 @!p0 $0x1;
	_ =	shalt  }
.Lfunc_end1:
_tile_overlayer_lowered:
.L_overlay_start_2:
0x74: {  	(tag) =	ssettag $0x2  }
0x75: {  	s0 =	rddreg [dreg:$0x0];
	s2 =	stileid.u32  }
0x76: {  	s1 =	rddreg [dreg:$0x1];
	p0 =	sne.s32 s2, $0x0  }
0x77: {  	s3 =	rddreg [dreg:$0x2];
	[bflag:$0x3] =	sbarrier.arrive $0xFFFF;
	s2 =	simm.s32 @!p0 $0x1C01  }
0x78: {  	[timem:s3], [sflag:s2] =	dma.local @!p0 [hbm:s0], s1  }
0x79: {  	s0 =	simm.s32 @!p0 $0x1  }
0x7a: {  	_ =	swait.ge @!p0 [sflag:s0], s1  }
0x7b: {  	s1 =	ssub.s32 @!p0 $0x0, s1;
	[sflag:s0] =	ssyncset.done @!p0 $0x0  }
0x7c: {  	[sflag:s0] =	ssyncadd.s32 @!p0 s1  }
0x7d: {  	[bflag:$0x3] =	sbarrier.arrive $0xFFFF  }
0x7e: {  	_ =	shalt  }

// kernel: sparse-core-data-format-call.2.cloned.1.call-start
scs
called_computation.2_lowered:
.L_overlay_start_0:
0x0: {  	s1 =	sld [smem:$0x3FD9]  }
0x1: {  	s2 =	sld [smem:$0x3FFE];
	_ =	sdelay $0x1  }
0x2: {  	s3 =	srdreg.scid  }
0x3: {  	s0 =	sand.u32 $0x1, s3  }
0x4: {  	s17 =	sshll.u32 s0, $0xA;
	s1 =	sadd.s32 s2, s1  }
0x5: {  	s1 =	sadd.s32 s1, s17  }
0x6: {  	[smem:$0x3FAA] =	sst s1  }
0x7: {  	_ = 	snop  }
0x8: {  	(tm) =	ssettm $0x1  }
0x9: {  	s18 =	sld [smem:$0x3FFB];
	_ =	sdelay $0x3  }
0xa: {  	_ =	strace s18  }
0xb: {  	s1 =	sld [smem:$0x3FFC];
	_ =	sdelay $0x3  }
0xc: {  	_ =	strace s1  }
0xd: {  	s1 =	sld [smem:$0x3FFD];
	_ =	sdelay $0x3  }
0xe: {  	_ =	strace s1  }
0xf: {  	_ =	strace $0x8FFFFFFF  }
0x10: {  	s19 =	sld [smem:$0x3FDB];
	_ =	sdelay $0x1  }
0x11: {  	s20 =	simm.s32 $_scs_section_size  }
0x12: {  	s4 =	simm.s32 $_size__tile_overlayer_lowered;
	s5 =	simm.s32 $_tile_overlayer_lowered  }
0x13: {  	s23 =	simm.s32 $0x1BFF;
	s22 =	sshll.u32 s5, $0x1;
	s1 =	sadd.s32 s20, s19  }
0x14: {  	s6 =	simm.s32 $0x0;
	s21 =	sshll.u32 s4, $0x1;
	s4 =	sadd.s32 s22, s1  }
0x15: {  	[timem:s6], [sflag:s23] =	dma.local [hbm:s4], s21  }
0x16: {  	_ =	swait.ge [sflag:s23], s21  }
0x17: {  	s2 =	ssub.s32 $0x0, s21;
	[sflag:s23] =	ssyncset.done $0x0  }
0x18: {  	[sflag:s23] =	ssyncadd.s32 s2;
	_ =	sdelay $0x1  }
0x19: {  	s24 =	simm.s32 $0x1B8B  }
0x1a: {  	_ =	swait.ge [sflag:s24], $0x1  }
0x1b: {  	[sflag:s24] =	ssyncset.done $0x0  }
0x1c: {  	s26 =	simm.s32 $0x1B8E;
	s25 =	sld [smem:$0x3FFE];
	[sflag:s24] =	ssyncadd.s32 $0xFFFFFFFF  }
0x1d: {  	s27 =	simm.s32 $execute0_lowered;
	[smem:$0x3FD2] =	sst s26  }
0x1e: {  	s4 =	sshll.u32 s27, $0x1;
	_ =	strace $0x8000004C;
	[dreg:$0x1] =	wrdreg $0xFFFFFFFF  }
0x1f: {  	s28 =	simm.s32 $_size_execute0_lowered;
	s1 =	sadd.s32 s1, s4;
	[dreg:$0x0] =	wrdreg $0x0  }
0x20: {  	s4 =	sshll.u32 s28, $0x1;
	[dreg:$0x2] =	wrdreg s1  }
0x21: {  	[dreg:$0x3] =	wrdreg s4  }
0x22: {  	[dreg:$0x4] =	wrdreg $0xC0  }
0x23: {  	_ =	task [dreg:s6], $0x5FFFF  }
0x24: {  	[dreg:$0x1] =	wrdreg $0xFFFFFFFF  }
0x25: {  	[dreg:$0x0] =	wrdreg $0x60  }
0x26: {  	[dreg:$0x2] =	wrdreg s25  }
0x27: {  	[dreg:$0x3] =	wrdreg $0x9  }
0x28: {  	_ =	task.clear_ibuf [dreg:s6], $0x4FFFF;
	_ =	strace $0x9000004C  }
0x29: {  	s29 =	simm.s32 $0x9;
	_ =	strace $0x8000004E  }
0x2a: {  	_ =	swait.ge [sflag:s29], $0x1  }
0x2b: {  	[sflag:s29] =	ssyncadd.s32 $0xFFFFFFFF  }
0x2c: {  	_ =	strace $0x9000004E  }
0x2d: {  	_ =	sfence  }
0x2e: {  	s30 =	sld [smem:$0x0];
	_ =	sdelay $0x2  }
0x2f: {  	s31 =	sshll.u32 s3, $0xD;
	s3 =	sshrl.u32 s3, $0x2  }
0x30: {  	s2 =	sand.u32 $0x4000, s31;
	s1 =	sadd.s32 s3, s30  }
0x31: {  	s0 =	sor.u32 s2, s0;
	s1 =	sshll.u32 s1, $0x11  }
0x32: {  	s0 =	sor.u32 s1, s0  }
0x33: {  	s0 =	sadd.s32 $0x8F2B, s0  }
0x34: {  	[sflag:s0] =	ssyncadd.remote.s32 $0x1  }
0x35: {  	_ =	sfence.sel $0xFFFF  }
0x36: {  	[dreg:$0x0] =	wrdreg $0xFFFFFFFF;
	(pc) =	sbr.abs _section_cstart, $3  }
0x37: {  	[dreg:$0x1] =	wrdreg $0xFFFFFFFF  }
0x38: {  	_ =	task.clear_ibuf [dreg:s6], $0x2FFFF;
	_ =	strace $0x9FFFFFFF  }
0x39: {  	(tm) =	ssettm $0x7FFFFFFF  }
tec
execute0_lowered:
.L_overlay_start_1:
0x0: {  	(tag) =	ssettag $0x1  }
0x1: {  	s0 =	stileid.u32;
	s1 =	srdreg.scid  }
0x2: {  	s4 =	rddreg [dreg:$0x0];
	s7 =	simm.s32 $0x1;
	s31 =	simm.s32 $0x2  }
0x3: {  	s16 =	simm.s32 $0x0;
	s2 =	sshll.u32 s0, $0x4;
	s1 =	sshll.u32 s1, $0x8  }
0x4: {  	s9 =	simm.s32 $0x4000;
	s14 =	simm.s32 $0x0;
	s1 =	sor.u32 s2, s1  }
0x5: {  	s15 =	simm.s32 $0x0;
	s10 =	simm.s32 $0x0;
	s2 =	sand.u32 $0x180, s1  }
0x6: {  	s13 =	simm.s32 $0x0;
	s3 =	sadd.s32 $0x400000, s4;
	s5 =	ssub.s32 $0x800, s2  }
0x7: {  	s4 =	sadd.s32 $0x800000, s4;
	s1 =	rddreg [dreg:$0x1];
	s6 =	sand.u32 $0x180, s5  }
.Ltmp0:
0x8: {  	_ =	strace $0x8000004D;
	p0 =	sne.s32 s6, $0x0;
	(pc) =	sbr.rel .LBB1_1-.Ltmp0, $4  }
0x9: {  	s11 =	smov.u32 s2;
	s8 =	sshrl.u32 s5, $0x9;
	s7 =	simm.s32 @!p0 $0x0  }
0xa: {  	s5 =	sand.u32 $0x7, s0;
	s6 =	simm.s32 $0x1;
	s7 =	sadd.s32 s7, s8  }
0xb: {  	s12 =	smov.u32 s5;
	[sflag:s6] =	ssyncpa.u1 $0x0;
	s7 =	sshll.u32 s7, $0x4  }
0xc: {  	p0 =	por $0x0, $0x0;
	[sflag:s31] =	ssyncpa.u1 $0x0;
	s8 =	sor.u32 $0x1, s7  }
.LBB1_4:
0xd: {  	v5 =	vld [tilespmem:s19+$0xFFFFFFD0]  }
0xe: {  	[tilespmem:s20+$0x2040 ss:$0x81] =	vst.msk $0xffff, v1;
	v58 =	vld [tilespmem:s19+$0xFFFFFFE0]  }
0xf: {  	[tilespmem:s20+$0x2850 ss:$0x81] =	vst.msk $0xffff, v2;
	v59 =	vld [tilespmem:s19+$0xFFFFFFF0]  }
0x10: {  	s21 =	sshra.s32 s21, $0x2;
	[tilespmem:s20+$0x3060 ss:$0x81] =	vst.msk $0xffff, v3;
	v60 =	vld [tilespmem:s19+$0x0]  }
0x11: {  	[tilespmem:s20+$0x0 ss:$0x81] =	vst.msk $0xffff, v0;
	v61 =	vld [tilespmem:s19+$0x10];
	s18 =	sadd.s32 s21, s18  }
0x12: {  	s26 =	sshll.u32 s16, $0xB;
	v62 =	vld [tilespmem:s19+$0x20];
	[tilespmem:s18+$0x3870 ss:$0x81] =	vst.msk $0xffff, v4  }
0x13: {  	s27 =	sand.u32 $0x78, s14;
	s22 =	sshll.u32 s14, $0x3;
	v63 =	vld [tilespmem:s19+$0xFFFFFFC0];
	s29 =	sshll.u32 s16, $0x7;
	[tilespmem:s18+$0x810 ss:$0x81] =	vst.msk $0xffff, v5  }
0x14: {  	s15 =	sshll.u32 s15, $0x13;
	s20 =	sand.u32 $0x3FC000, s26;
	s28 =	sand.u32 $0x3FFC00, s22;
	[tilespmem:s18+$0x1020 ss:$0x81] =	vst.msk $0xffff, v58  }
0x15: {  	s31 =	sand.u32 $0x7, s14;
	s22 =	sand.u32 $0x400, s22;
	s19 =	sadd.s32 s28, s20;
	[tilespmem:s18+$0x1830 ss:$0x81] =	vst.msk $0xffff, v59  }
0x16: {  	s16 =	sand.u32 $0x380, s29;
	s30 =	sor.u32 s27, s22;
	s19 =	sshrl.u32 s19, $0x3;
	[tilespmem:s18+$0x2040 ss:$0x81] =	vst.msk $0xffff, v60  }
0x17: {  	s15 =	sadd.s32 s4, s15;
	s16 =	sor.u32 s16, s30;
	s19 =	sand.u32 $0x7FF00, s19;
	[tilespmem:s18+$0x2850 ss:$0x81] =	vst.msk $0xffff, v61  }
0x18: {  	s14 =	sshll.u32 s31, $0x12;
	s16 =	sshrl.u32 s16, $0x3;
	[tilespmem:s18+$0x3060 ss:$0x81] =	vst.msk $0xffff, v62;
	s15 =	sadd.s32 s19, s15  }
0x19: {  	s14 =	sor.u32 $0x400, s14;
	[tilespmem:s18+$0x0 ss:$0x81] =	vst.msk $0xffff, v63;
	s15 =	sadd.s32 s16, s15  }
0x1a: {  	[hbm4b:s15+s14] =	stream.strided.scatter [tilespmem:s17], [sflag:$0x2], $0x4000, s9, s14, $0x20;
	[tilespmem:$0x10100] =	vst v63  }
.LBB1_5:
0x1b: {  	s17 =	sadd.s32 $0x80, s10  }
0x1c: {  	s14 =	sadd.s32 $0x200, s11;
	s18 =	smov.u32 s11;
	p2 =	sgt.s32 s17, $0x7FF  }
0x1d: {  	s18 =	smov.u32 @p2 s14  }
0x1e: {  	s20 =	smov.u32 s12;
	s14 =	sadd.s32 $0x8, s12;
	p3 =	sgt.s32 s18, $0x7FF  }
0x1f: {  	s20 =	smov.u32 @p3 s14  }
0x20: {  	s17 =	simm.s32 @p2 $0x0;
	p2 =	sgt.s32 s20, $0x7  }
0x21: {  	p1 =	slt.u32 s13, $0x2;
	s20 =	smov.u32 @p2 s5;
	p2 =	sne.s32 s13, s8  }
.Ltmp1:
0x22: {  	s19 =	simm.s32 @!p1 $0x2;
	(pc) =	sbr.rel @!p2 .LBB1_6-.Ltmp1, $4  }
0x23: {  	s16 =	smov.u32 s10;
	s15 =	smov.u32 s12;
	_ =	swait.ge @!p1 [sflag:s19], $0x4000  }
0x24: {  	p0 =	por !p0, !p0;
	[sflag:s19] =	ssyncset.done @!p1 $0x0;
	s10 =	smov.u32 s17  }
0x25: {  	s18 =	smov.u32 @p3 s2;
	s14 =	smov.u32 s11;
	[sflag:s19] =	ssyncadd.s32 @!p1 $0xFFFFC000  }
0x26: {  	s11 =	smov.u32 s18;
	s13 =	sadd.s32 $0x1, s13;
	s12 =	smov.u32 s20  }
.LBB1_1:
0x27: {  	p1 =	sge.u32 s13, s7;
	s31 =	sadd.s32 $0xFFFFFFFF, s13  }
0x28: {  	s17 =	sxor.u32 @!p1 $0xFFFFFFFF, s13;
	s18 =	sand.u32 @!p1 $0x78, s10;
	s19 =	sshll.u32 @!p1 s11, $0xB  }
0x29: {  	s20 =	sshll.u32 @!p1 s11, $0x7;
	s21 =	sshll.u32 @!p1 s10, $0x3;
	s17 =	sshll.u32 @!p1 s17, $0xE  }
0x2a: {  	s19 =	sand.u32 @!p1 $0x3FC000, s19;
	s20 =	sand.u32 @!p1 $0x380, s20;
	s17 =	sand.u32 @!p1 $0x4000, s17  }
0x2b: {  	s19 =	sadd.s32 @!p1 s19, s21;
	s21 =	sand.u32 @!p1 $0x400, s21;
	s18 =	sor.u32 @!p1 s20, s18  }
0x2c: {  	s20 =	sshll.u32 @!p1 s12, $0x13;
	s18 =	sor.u32 @!p1 s21, s18;
	s19 =	sshrl.u32 @!p1 s19, $0x3  }
0x2d: {  	s20 =	sadd.s32 @!p1 s3, s20;
	s21 =	sand.u32 @!p1 $0x7, s10;
	s19 =	sand.u32 @!p1 $0x7FF00, s19  }
0x2e: {  	s18 =	sshrl.u32 @!p1 s18, $0x3;
	s19 =	sadd.s32 @!p1 s19, s20;
	s20 =	sshll.u32 @!p1 s21, $0x12  }
0x2f: {  	s18 =	sadd.s32 @!p1 s18, s19;
	s19 =	sor.u32 @!p1 $0x400, s20;
	s20 =	simm.s32 @!p1 $0x4000  }
0x30: {  	[tilespmem:s17], [sflag:$0x1] =	stream.strided.gather @!p1 [hbm4b:s18+s19], $0x4000, s20, s19, $0x38;
	[tilespmem:$0x10100] =	vst v63  }
0x31: {  	p1 =	sge.u32 s31, s7  }
.Ltmp2:
0x32: {  	_ = 	snop;
	(pc) =	sbr.rel @p1 .LBB1_5-.Ltmp2, $1  }
0x33: {  	_ =	sdelay $0x3  }
0x34: {  	s17 =	simm.s32 $0x1  }
0x35: {  	_ =	swait.ge [sflag:s6], $0x4000;
	s17 =	simm.s32 @!p0 $0x0  }
0x36: {  	[sflag:s6] =	ssyncset.done $0x0;
	s18 =	sshll.u32 s17, $0xE  }
0x37: {  	[sflag:s6] =	ssyncadd.s32 $0xFFFFC000;
	s19 =	sor.u32 $0x40, s18  }
0x38: {  	s17 =	smul.u32 $0x10200, s17;
	v0 =	vld [tilespmem:s19+$0x30]  }
0x39: {  	v3 =	vld [tilespmem:s19+$0xFFFFFFD0]  }
0x3a: {  	s17 =	sshrl.u32 s17, $0x2;
	v4 =	vld [tilespmem:s19+$0xFFFFFFE0]  }
0x3b: {  	v5 =	vld [tilespmem:s19+$0xFFFFFFF0];
	s18 =	sor.u32 $0x8000, s17  }
0x3c: {  	s31 =	sand.u32 $0x1, s13;
	v1 =	vld [tilespmem:s19+$0x0];
	s20 =	sadd.s32 $0x0, s18  }
0x3d: {  	v2 =	vld [tilespmem:s19+$0x10];
	s17 =	smul.u32 $0x10200, s31;
	[tilespmem:s20+$0x3870 ss:$0x81] =	vst.msk $0xffff, v0  }
0x3e: {  	[tilespmem:s20+$0x810 ss:$0x81] =	vst.msk $0xffff, v3;
	v3 =	vld [tilespmem:s19+$0x20]  }
0x3f: {  	s17 =	sshrl.u32 s17, $0x2;
	v0 =	vld [tilespmem:s19+$0xFFFFFFC0];
	[tilespmem:s20+$0x1020 ss:$0x81] =	vst.msk $0xffff, v4;
	s19 =	sadd.s32 $0x80, s19  }
0x40: {  	s21 =	simm.s32 $0x4;
	s22 =	simm.s32 $0x8;
	s17 =	sor.u32 $0x8000, s17;
	[tilespmem:s20+$0x1830 ss:$0x81] =	vst.msk $0xffff, v5;
	v4 =	vld [tilespmem:s19+$0x30]  }
.LBB1_3:
0x41: {  	p1 =	sne.s32 s22, $0x1FC;
	v5 =	vld [tilespmem:s19+$0xFFFFFFD0];
	[tilespmem:s20+$0x2040 ss:$0x81] =	vst.msk $0xffff, v1  }
0x42: {  	v6 =	vld [tilespmem:s19+$0xFFFFFFE0];
	[tilespmem:s20+$0x2850 ss:$0x81] =	vst.msk $0xffff, v2  }
0x43: {  	s23 =	sshra.s32 s21, $0x2;
	s21 =	smov.u32 s22;
	v7 =	vld [tilespmem:s19+$0xFFFFFFF0];
	[tilespmem:s20+$0x3060 ss:$0x81] =	vst.msk $0xffff, v3  }
.Ltmp3:
0x44: {  	v1 =	vld [tilespmem:s19+$0x0];
	[tilespmem:s20+$0x0 ss:$0x81] =	vst.msk $0xffff, v0;
	s20 =	sadd.s32 s23, s18;
	(pc) =	sbr.rel @p1 .LBB1_3-.Ltmp3, $4  }
0x45: {  	v2 =	vld [tilespmem:s19+$0x10];
	[tilespmem:s20+$0x3870 ss:$0x81] =	vst.msk $0xffff, v4  }
0x46: {  	[tilespmem:s20+$0x810 ss:$0x81] =	vst.msk $0xffff, v5;
	v3 =	vld [tilespmem:s19+$0x20]  }
0x47: {  	v0 =	vld [tilespmem:s19+$0xFFFFFFC0];
	[tilespmem:s20+$0x1020 ss:$0x81] =	vst.msk $0xffff, v6;
	s19 =	sadd.s32 $0x80, s19  }
0x48: {  	s22 =	sadd.s32 $0x4, s22;
	v4 =	vld [tilespmem:s19+$0x30];
	[tilespmem:s20+$0x1830 ss:$0x81] =	vst.msk $0xffff, v7  }
.Ltmp4:
0x49: {  	_ = 	snop;
	(pc) =	sbr.rel .LBB1_4-.Ltmp4, $1  }
0x4a: {  	_ =	sdelay $0x3  }
.LBB1_6:
0x4b: {  	_ =	sfence.sel $0x180000  }
0x4c: {  	s2 =	simm.s32 $0x1;
	[bflag:$0x0] =	sbarrier.arrive $0xFFFF  }
0x4d: {  	s31 =	simm.s32 $0x2;
	[sflag:s2] =	ssyncpa.u1 $0x1  }
0x4e: {  	[sflag:s31] =	ssyncpa.u1 $0x1  }
0x4f: {  	p0 =	sne.s32 s0, $0x0;
	_ =	strace $0x9000004D  }
0x50: {  	s0 =	sadd.s32 @!p0 $0x100000, s1;
	[bflag:$0x2] =	sbarrier.arrive $0xFFFF  }
0x51: {  	[sflag:s0] =	ssyncadd.tile.s32 @!p0 $0x1;
	_ =	shalt  }
.Lfunc_end1:
_tile_overlayer_lowered:
.L_overlay_start_2:
0x52: {  	(tag) =	ssettag $0x2  }
0x53: {  	s0 =	rddreg [dreg:$0x0];
	s2 =	stileid.u32  }
0x54: {  	s1 =	rddreg [dreg:$0x1];
	p0 =	sne.s32 s2, $0x0  }
0x55: {  	s3 =	rddreg [dreg:$0x2];
	[bflag:$0x3] =	sbarrier.arrive $0xFFFF;
	s2 =	simm.s32 @!p0 $0x1C01  }
0x56: {  	[timem:s3], [sflag:s2] =	dma.local @!p0 [hbm:s0], s1  }
0x57: {  	s0 =	simm.s32 @!p0 $0x1  }
0x58: {  	_ =	swait.ge @!p0 [sflag:s0], s1  }
0x59: {  	s1 =	ssub.s32 @!p0 $0x0, s1;
	[sflag:s0] =	ssyncset.done @!p0 $0x0  }
0x5a: {  	[sflag:s0] =	ssyncadd.s32 @!p0 s1  }
0x5b: {  	[bflag:$0x3] =	sbarrier.arrive $0xFFFF  }
0x5c: {  	_ =	shalt  }

// kernel: sparse-core-data-format-call.3.cloned.1.call-start
scs
called_computation.3_lowered:
.L_overlay_start_0:
0x0: {  	s1 =	sld [smem:$0x3FD9]  }
0x1: {  	s2 =	sld [smem:$0x3FFE];
	_ =	sdelay $0x1  }
0x2: {  	s3 =	srdreg.scid  }
0x3: {  	s0 =	sand.u32 $0x1, s3  }
0x4: {  	s17 =	sshll.u32 s0, $0xA;
	s1 =	sadd.s32 s2, s1  }
0x5: {  	s1 =	sadd.s32 s1, s17  }
0x6: {  	[smem:$0x3FAA] =	sst s1  }
0x7: {  	_ = 	snop  }
0x8: {  	(tm) =	ssettm $0x1  }
0x9: {  	s18 =	sld [smem:$0x3FFB];
	_ =	sdelay $0x3  }
0xa: {  	_ =	strace s18  }
0xb: {  	s1 =	sld [smem:$0x3FFC];
	_ =	sdelay $0x3  }
0xc: {  	_ =	strace s1  }
0xd: {  	s1 =	sld [smem:$0x3FFD];
	_ =	sdelay $0x3  }
0xe: {  	_ =	strace s1  }
0xf: {  	_ =	strace $0x8FFFFFFF  }
0x10: {  	s19 =	sld [smem:$0x3FDB];
	_ =	sdelay $0x1  }
0x11: {  	s20 =	simm.s32 $_scs_section_size  }
0x12: {  	s4 =	simm.s32 $_size__tile_overlayer_lowered;
	s5 =	simm.s32 $_tile_overlayer_lowered  }
0x13: {  	s23 =	simm.s32 $0x1BFF;
	s22 =	sshll.u32 s5, $0x1;
	s1 =	sadd.s32 s20, s19  }
0x14: {  	s6 =	simm.s32 $0x0;
	s21 =	sshll.u32 s4, $0x1;
	s4 =	sadd.s32 s22, s1  }
0x15: {  	[timem:s6], [sflag:s23] =	dma.local [hbm:s4], s21  }
0x16: {  	_ =	swait.ge [sflag:s23], s21  }
0x17: {  	s2 =	ssub.s32 $0x0, s21;
	[sflag:s23] =	ssyncset.done $0x0  }
0x18: {  	[sflag:s23] =	ssyncadd.s32 s2;
	_ =	sdelay $0x1  }
0x19: {  	s24 =	simm.s32 $0x1B8B  }
0x1a: {  	_ =	swait.ge [sflag:s24], $0x1  }
0x1b: {  	[sflag:s24] =	ssyncset.done $0x0  }
0x1c: {  	s26 =	simm.s32 $0x1B8E;
	s25 =	sld [smem:$0x3FFE];
	[sflag:s24] =	ssyncadd.s32 $0xFFFFFFFF  }
0x1d: {  	s27 =	simm.s32 $execute0_lowered;
	[smem:$0x3FD2] =	sst s26  }
0x1e: {  	s4 =	sshll.u32 s27, $0x1;
	_ =	strace $0x80000049;
	[dreg:$0x1] =	wrdreg $0xFFFFFFFF  }
0x1f: {  	s28 =	simm.s32 $_size_execute0_lowered;
	s1 =	sadd.s32 s1, s4;
	[dreg:$0x0] =	wrdreg $0x0  }
0x20: {  	s4 =	sshll.u32 s28, $0x1;
	[dreg:$0x2] =	wrdreg s1  }
0x21: {  	[dreg:$0x3] =	wrdreg s4  }
0x22: {  	[dreg:$0x4] =	wrdreg $0xC0  }
0x23: {  	_ =	task [dreg:s6], $0x5FFFF  }
0x24: {  	[dreg:$0x1] =	wrdreg $0xFFFFFFFF  }
0x25: {  	[dreg:$0x0] =	wrdreg $0x60  }
0x26: {  	[dreg:$0x2] =	wrdreg s25  }
0x27: {  	[dreg:$0x3] =	wrdreg $0x9  }
0x28: {  	_ =	task.clear_ibuf [dreg:s6], $0x4FFFF;
	_ =	strace $0x90000049  }
0x29: {  	s29 =	simm.s32 $0x9;
	_ =	strace $0x8000004B  }
0x2a: {  	_ =	swait.ge [sflag:s29], $0x1  }
0x2b: {  	[sflag:s29] =	ssyncadd.s32 $0xFFFFFFFF  }
0x2c: {  	_ =	strace $0x9000004B  }
0x2d: {  	_ =	sfence  }
0x2e: {  	s30 =	sld [smem:$0x0];
	_ =	sdelay $0x2  }
0x2f: {  	s31 =	sshll.u32 s3, $0xD;
	s3 =	sshrl.u32 s3, $0x2  }
0x30: {  	s2 =	sand.u32 $0x4000, s31;
	s1 =	sadd.s32 s3, s30  }
0x31: {  	s0 =	sor.u32 s2, s0;
	s1 =	sshll.u32 s1, $0x11  }
0x32: {  	s0 =	sor.u32 s1, s0  }
0x33: {  	s0 =	sadd.s32 $0x8F2B, s0  }
0x34: {  	[sflag:s0] =	ssyncadd.remote.s32 $0x1  }
0x35: {  	_ =	sfence.sel $0xFFFF  }
0x36: {  	[dreg:$0x0] =	wrdreg $0xFFFFFFFF;
	(pc) =	sbr.abs _section_cstart, $3  }
0x37: {  	[dreg:$0x1] =	wrdreg $0xFFFFFFFF  }
0x38: {  	_ =	task.clear_ibuf [dreg:s6], $0x2FFFF;
	_ =	strace $0x9FFFFFFF  }
0x39: {  	(tm) =	ssettm $0x7FFFFFFF  }
tec
execute0_lowered:
.L_overlay_start_1:
0x0: {  	(tag) =	ssettag $0x1  }
0x1: {  	s0 =	srdreg.scid  }
0x2: {  	s6 =	rddreg [dreg:$0x0];
	s7 =	simm.s32 $0x1;
	s1 =	sshll.u32 s0, $0x4  }
0x3: {  	s8 =	simm.s32 $0x2;
	s0 =	stileid.u32;
	s1 =	sand.u32 $0x10, s1  }
0x4: {  	s13 =	simm.s32 $0x0;
	s12 =	simm.s32 $0x0;
	s1 =	sor.u32 s0, s1  }
0x5: {  	s10 =	simm.s32 $0x0;
	s11 =	simm.s32 $0x0;
	s2 =	sshll.u32 s1, $0x8  }
0x6: {  	s3 =	sadd.s32 $0x400000, s6;
	s6 =	sadd.s32 $0x7C0000, s6;
	s5 =	ssub.s32 $0x78000, s2  }
.Ltmp0:
0x7: {  	s1 =	rddreg [dreg:$0x1];
	s4 =	sand.u32 $0x1F00, s5;
	(pc) =	sbr.rel .LBB1_1-.Ltmp0, $4  }
0x8: {  	_ =	strace $0x8000004A;
	s9 =	smov.u32 s2;
	p0 =	sne.s32 s4, $0x0  }
0x9: {  	s5 =	sshrl.u32 s5, $0xD;
	s4 =	simm.s32 $0x1;
	s7 =	simm.s32 @!p0 $0x0  }
0xa: {  	[sflag:s4] =	ssyncpa.u1 $0x0;
	p0 =	por $0x0, $0x0;
	s5 =	sadd.s32 s7, s5  }
0xb: {  	[sflag:s8] =	ssyncpa.u1 $0x0;
	s8 =	simm.s32 $0x80;
	s7 =	sadd.s32 $0x1, s5  }
.LBB1_4:
0xc: {  	_ =	sdelay $0x3  }
0xd: {  	s21 =	sor.u32 s24, s23;
	v47 =	vld.idx.msk [tilespmem:v0+s16+$0x470 ss:$0x1], $0xffff  }
0xe: {  	v57 =	vld.idx.msk [tilespmem:v0+s21+$0x410 ss:$0x1], $0xffff  }
0xf: {  	v58 =	vld.idx.msk [tilespmem:v0+s21+$0x420 ss:$0x1], $0xffff  }
0x10: {  	[tilespmem:s18+$0x1860 ss:$0x41] =	vst.msk $0xffff, v8;
	v59 =	vld.idx.msk [tilespmem:v0+s21+$0x430 ss:$0x1], $0xffff  }
0x11: {  	[tilespmem:s18+$0x1C70 ss:$0x41] =	vst.msk $0xffff, v7;
	v60 =	vld.idx.msk [tilespmem:v0+s21+$0x440 ss:$0x1], $0xffff  }
0x12: {  	[tilespmem:s18+$0x2490 ss:$0x41] =	vst.msk $0xffff, v1;
	s22 =	sand.u32 $0x3B00, s21;
	v61 =	vld.idx.msk [tilespmem:v0+s21+$0x450 ss:$0x1], $0xffff  }
0x13: {  	s20 =	sand.u32 $0x80, s20;
	[tilespmem:s18+$0x28A0 ss:$0x41] =	vst.msk $0xffff, v2;
	v62 =	vld.idx.msk [tilespmem:v0+s21+$0x460 ss:$0x1], $0xffff;
	s15 =	sadd.s32 s22, s15  }
0x14: {  	[tilespmem:s18+$0x2CB0 ss:$0x41] =	vst.msk $0xffff, v3;
	v63 =	vld.idx.msk [tilespmem:v0+s21+$0x470 ss:$0x1], $0xffff;
	s15 =	sadd.s32 s20, s15  }
0x15: {  	[tilespmem:s18+$0x30C0 ss:$0x41] =	vst.msk $0xffff, v4;
	v48 =	vld [tilespmem:s15+$0x400]  }
0x16: {  	[tilespmem:s18+$0x34D0 ss:$0x41] =	vst.msk $0xffff, v5;
	v49 =	vld [tilespmem:s15+$0x0]  }
0x17: {  	s25 =	sshra.s32 s19, $0x2;
	[tilespmem:s18+$0x38E0 ss:$0x41] =	vst.msk $0xffff, v6;
	v50 =	vld [tilespmem:s15+$0x10]  }
0x18: {  	s16 =	sadd.s32 s25, s17;
	v51 =	vld [tilespmem:s15+$0x20];
	[tilespmem:s18+$0x3CF0 ss:$0x41] =	vst.msk $0xffff, v47  }
0x19: {  	v52 =	vld [tilespmem:s15+$0x30];
	[tilespmem:s16+$0x2490 ss:$0x41] =	vst.msk $0xffff, v57  }
0x1a: {  	v53 =	vld [tilespmem:s15+$0x40];
	[tilespmem:s16+$0x28A0 ss:$0x41] =	vst.msk $0xffff, v58  }
0x1b: {  	v54 =	vld [tilespmem:s15+$0x50];
	[tilespmem:s16+$0x2CB0 ss:$0x41] =	vst.msk $0xffff, v59  }
0x1c: {  	s13 =	sshll.u32 s13, $0x7;
	s26 =	sshll.u32 s12, $0x3;
	v55 =	vld [tilespmem:s15+$0x60];
	[tilespmem:s16+$0x30C0 ss:$0x41] =	vst.msk $0xffff, v60  }
0x1d: {  	s27 =	sand.u32 $0xFFFFFC00, s13;
	v56 =	vld [tilespmem:s15+$0x70];
	s15 =	sand.u32 $0xFFFFFC00, s26;
	[tilespmem:s16+$0x34D0 ss:$0x41] =	vst.msk $0xffff, v61  }
0x1e: {  	s13 =	sand.u32 $0x380, s13;
	s15 =	sadd.s32 s15, s27;
	[tilespmem:s16+$0x38E0 ss:$0x41] =	vst.msk $0xffff, v62  }
0x1f: {  	s13 =	sor.u32 s13, s15;
	[tilespmem:s16+$0x3CF0 ss:$0x41] =	vst.msk $0xffff, v63  }
0x20: {  	s13 =	sshrl.u32 s13, $0x7;
	[tilespmem:s16+$0x2080 ss:$0x41] =	vst.msk $0xffff, v48  }
0x21: {  	s28 =	smulhi.u32 $0x2222223, s13;
	[tilespmem:s16+$0x0 ss:$0x41] =	vst.msk $0xffff, v49  }
0x22: {  	[tilespmem:s16+$0x410 ss:$0x41] =	vst.msk $0xffff, v50  }
0x23: {  	[tilespmem:s16+$0x820 ss:$0x41] =	vst.msk $0xffff, v51;
	s15 =	sshrl.u32 s28, $0xC  }
0x24: {  	[tilespmem:s16+$0xC30 ss:$0x41] =	vst.msk $0xffff, v52;
	s15 =	smul.u32 $0x78000, s15  }
0x25: {  	s29 =	sshrl.u32 s12, $0x3;
	[tilespmem:s16+$0x1040 ss:$0x41] =	vst.msk $0xffff, v53  }
0x26: {  	s31 =	sand.u32 $0x7, s12;
	s30 =	sand.u32 $0xF, s29;
	[tilespmem:s16+$0x1450 ss:$0x41] =	vst.msk $0xffff, v54;
	s13 =	ssub.s32 s13, s15  }
0x27: {  	s12 =	sshll.u32 s31, $0x12;
	[tilespmem:s16+$0x1860 ss:$0x41] =	vst.msk $0xffff, v55;
	s15 =	sadd.s32 s6, s30;
	s13 =	sshll.u32 s13, $0x4  }
0x28: {  	s12 =	sor.u32 $0x40, s12;
	[tilespmem:s16+$0x1C70 ss:$0x41] =	vst.msk $0xffff, v56;
	s13 =	sadd.s32 s13, s15  }
0x29: {  	[hbm4b:s13+s12] =	stream.strided.scatter [tilespmem:s14], [sflag:$0x2], $0x4000, s8, s12, $0x18;
	[tilespmem:$0x10200] =	vst v63  }
.LBB1_5:
0x2a: {  	s14 =	sadd.s32 $0x2000, s9  }
0x2b: {  	s12 =	sadd.s32 $0x40, s10;
	s16 =	smov.u32 s10;
	p2 =	sgt.s32 s14, $0x77FFF  }
0x2c: {  	s16 =	smov.u32 @p2 s12  }
0x2d: {  	s14 =	smov.u32 @p2 s2;
	p2 =	sgt.s32 s16, $0x3F  }
0x2e: {  	s16 =	simm.s32 @p2 $0x0;
	p2 =	sne.s32 s11, s7  }
.Ltmp1:
0x2f: {  	p1 =	slt.u32 s11, $0x2;
	(pc) =	sbr.rel @!p2 .LBB1_6-.Ltmp1, $4  }
0x30: {  	s15 =	simm.s32 @!p1 $0x2  }
0x31: {  	s13 =	smov.u32 s9;
	p0 =	por !p0, !p0;
	_ =	swait.ge @!p1 [sflag:s15], $0x4000  }
0x32: {  	s12 =	smov.u32 s10;
	[sflag:s15] =	ssyncset.done @!p1 $0x0;
	s9 =	smov.u32 s14  }
0x33: {  	s11 =	sadd.s32 $0x1, s11;
	[sflag:s15] =	ssyncadd.s32 @!p1 $0xFFFFC000;
	s10 =	smov.u32 s16  }
.LBB1_1:
0x34: {  	p1 =	sge.u32 s11, s5  }
0x35: {  	s14 =	sshrl.u32 @!p1 s10, $0x3  }
0x36: {  	s15 =	sshll.u32 @!p1 s9, $0x3;
	s16 =	sshll.u32 @!p1 s10, $0x7;
	s14 =	smul.u32 @!p1 $0x3C0000, s14  }
0x37: {  	s17 =	sand.u32 @!p1 $0x7F, s9;
	s15 =	sand.u32 @!p1 $0xFFFFFC00, s15;
	s16 =	sand.u32 @!p1 $0x380, s16  }
0x38: {  	s14 =	sadd.s32 @!p1 s14, s15;
	s15 =	sor.u32 @!p1 s17, s16  }
0x39: {  	s15 =	sor.u32 @!p1 s14, s15  }
0x3a: {  	s16 =	smulhi.u32 @!p1 $0x88888889, s15;
	_ =	sdelay $0x1  }
0x3b: {  	s14 =	smulhi.u32 @!p1 $0x88888889, s14;
	s16 =	sshrl.u32 @!p1 s16, $0x12  }
0x3c: {  	s16 =	smul.u32 @!p1 $0x78000, s16  }
0x3d: {  	s31 =	sadd.s32 $0xFFFFFFFF, s11;
	s17 =	sxor.u32 @!p1 $0xFFFFFFFF, s11;
	s14 =	sshrl.u32 @!p1 s14, $0x12  }
0x3e: {  	s17 =	sshll.u32 @!p1 s17, $0xE;
	s14 =	sand.u32 @!p1 $0x3F, s14;
	s15 =	ssub.s32 @!p1 s15, s16  }
0x3f: {  	s14 =	smul.u32 @!p1 $0xF000, s14;
	s16 =	sshrl.u32 @!p1 s15, $0x3;
	s15 =	sand.u32 @!p1 $0x7, s15  }
0x40: {  	s17 =	sand.u32 @!p1 $0x4000, s17;
	s16 =	sadd.s32 @!p1 s3, s16;
	s15 =	sshll.u32 @!p1 s15, $0x12  }
0x41: {  	s14 =	sadd.s32 @!p1 s14, s16;
	s15 =	sor.u32 @!p1 $0x800, s15;
	s16 =	simm.s32 @!p1 $0x3C0000  }
0x42: {  	[tilespmem:s17], [sflag:$0x1] =	stream.strided.gather @!p1 [hbm4b:s14+s15], $0x4000, s16, s15, $0x38;
	[tilespmem:$0x10200] =	vst v63  }
0x43: {  	p1 =	sge.u32 s31, s5  }
.Ltmp2:
0x44: {  	_ = 	snop;
	(pc) =	sbr.rel @p1 .LBB1_5-.Ltmp2, $1  }
0x45: {  	_ =	sdelay $0x3  }
0x46: {  	s17 =	simm.s32 $0x0  }
0x47: {  	s16 =	sand.u32 $0x3800, s17;
	s18 =	sand.u32 $0x380, s17  }
0x48: {  	s14 =	sand.u32 $0x1, s11;
	s16 =	sor.u32 s18, s16  }
0x49: {  	_ =	swait.ge [sflag:s4], $0x4000;
	s15 =	sshll.u32 s14, $0xE;
	s18 =	sand.u32 $0x3B00, s16  }
0x4a: {  	[sflag:s4] =	ssyncset.done $0x0;
	s17 =	sand.u32 $0x80, s17;
	s18 =	sadd.s32 s18, s15  }
0x4b: {  	[sflag:s4] =	ssyncadd.s32 $0xFFFFC000;
	s20 =	sadd.s32 s17, s18  }
0x4c: {  	v4 =	vld [tilespmem:s20+$0x400]  }
0x4d: {  	s19 =	simm.s32 $0x1;
	v5 =	vld [tilespmem:s20+$0x0]  }
0x4e: {  	s19 =	simm.s32 @!p0 $0x0;
	v6 =	vld [tilespmem:s20+$0x10]  }
0x4f: {  	v0 =	vmov s15;
	s31 =	smul.u32 $0x10400, s19;
	v7 =	vld [tilespmem:s20+$0x20]  }
0x50: {  	v9 =	vld [tilespmem:s20+$0x30]  }
0x51: {  	s17 =	sshrl.u32 s31, $0x2;
	v10 =	vld [tilespmem:s20+$0x40]  }
0x52: {  	s17 =	sor.u32 $0x8000, s17;
	v11 =	vld [tilespmem:s20+$0x50]  }
0x53: {  	v8 =	vld [tilespmem:s20+$0x60];
	s18 =	sadd.s32 $0x0, s17  }
0x54: {  	v1 =	vld.idx.msk [tilespmem:v0+s16+$0x410 ss:$0x1], $0xffff;
	[tilespmem:s18+$0x2080 ss:$0x41] =	vst.msk $0xffff, v4  }
0x55: {  	v2 =	vld.idx.msk [tilespmem:v0+s16+$0x420 ss:$0x1], $0xffff;
	[tilespmem:s18+$0x0 ss:$0x41] =	vst.msk $0xffff, v5  }
0x56: {  	v3 =	vld.idx.msk [tilespmem:v0+s16+$0x430 ss:$0x1], $0xffff;
	[tilespmem:s18+$0x410 ss:$0x41] =	vst.msk $0xffff, v6  }
0x57: {  	s14 =	smul.u32 $0x10400, s14;
	[tilespmem:s18+$0x820 ss:$0x41] =	vst.msk $0xffff, v7;
	v7 =	vld [tilespmem:s20+$0x70]  }
0x58: {  	s21 =	simm.s32 $0x100;
	s22 =	simm.s32 $0x8;
	[tilespmem:s18+$0xC30 ss:$0x41] =	vst.msk $0xffff, v9;
	v4 =	vld.idx.msk [tilespmem:v0+s16+$0x440 ss:$0x1], $0xffff  }
0x59: {  	s23 =	sand.u32 $0x3800, s21;
	s14 =	sshrl.u32 s14, $0x2;
	[tilespmem:s18+$0x1040 ss:$0x41] =	vst.msk $0xffff, v10;
	v5 =	vld.idx.msk [tilespmem:v0+s16+$0x450 ss:$0x1], $0xffff;
	s20 =	simm.s32 $0x80  }
0x5a: {  	s19 =	simm.s32 $0x4;
	s14 =	sor.u32 $0x8000, s14;
	[tilespmem:s18+$0x1450 ss:$0x41] =	vst.msk $0xffff, v11;
	v6 =	vld.idx.msk [tilespmem:v0+s16+$0x460 ss:$0x1], $0xffff;
	s24 =	sand.u32 $0x380, s20  }
.LBB1_3:
0x5b: {  	p1 =	sne.s32 s22, $0xFC;
	[tilespmem:s18+$0x1860 ss:$0x41] =	vst.msk $0xffff, v8;
	v8 =	vld.idx.msk [tilespmem:v0+s16+$0x470 ss:$0x1], $0xffff;
	s16 =	sor.u32 s24, s23  }
0x5c: {  	s23 =	sand.u32 $0x3B00, s16;
	v9 =	vld.idx.msk [tilespmem:v0+s16+$0x410 ss:$0x1], $0xffff;
	[tilespmem:s18+$0x1C70 ss:$0x41] =	vst.msk $0xffff, v7  }
0x5d: {  	s24 =	sand.u32 $0x80, s20;
	s23 =	sadd.s32 s23, s15;
	v7 =	vld.idx.msk [tilespmem:v0+s16+$0x420 ss:$0x1], $0xffff;
	[tilespmem:s18+$0x2490 ss:$0x41] =	vst.msk $0xffff, v1  }
0x5e: {  	s23 =	sadd.s32 s24, s23;
	v10 =	vld.idx.msk [tilespmem:v0+s16+$0x430 ss:$0x1], $0xffff;
	[tilespmem:s18+$0x28A0 ss:$0x41] =	vst.msk $0xffff, v2  }
0x5f: {  	v11 =	vld [tilespmem:s23+$0x400];
	[tilespmem:s18+$0x2CB0 ss:$0x41] =	vst.msk $0xffff, v3  }
0x60: {  	v12 =	vld [tilespmem:s23+$0x0];
	[tilespmem:s18+$0x30C0 ss:$0x41] =	vst.msk $0xffff, v4  }
0x61: {  	v4 =	vld [tilespmem:s23+$0x10];
	[tilespmem:s18+$0x34D0 ss:$0x41] =	vst.msk $0xffff, v5  }
0x62: {  	s24 =	sshra.s32 s19, $0x2;
	s19 =	smov.u32 s22;
	v1 =	vmov v9;
	v5 =	vld [tilespmem:s23+$0x20];
	[tilespmem:s18+$0x38E0 ss:$0x41] =	vst.msk $0xffff, v6  }
0x63: {  	v2 =	vmov v7;
	v6 =	vld [tilespmem:s23+$0x30];
	[tilespmem:s18+$0x3CF0 ss:$0x41] =	vst.msk $0xffff, v8;
	s18 =	sadd.s32 s24, s17  }
0x64: {  	v3 =	vmov v10;
	v9 =	vld [tilespmem:s23+$0x40];
	[tilespmem:s18+$0x2080 ss:$0x41] =	vst.msk $0xffff, v11  }
0x65: {  	[tilespmem:s18+$0x0 ss:$0x41] =	vst.msk $0xffff, v12;
	v10 =	vld [tilespmem:s23+$0x50]  }
.Ltmp3:
0x66: {  	[tilespmem:s18+$0x410 ss:$0x41] =	vst.msk $0xffff, v4;
	v8 =	vld [tilespmem:s23+$0x60];
	(pc) =	sbr.rel @p1 .LBB1_3-.Ltmp3, $4  }
0x67: {  	[tilespmem:s18+$0x820 ss:$0x41] =	vst.msk $0xffff, v5;
	v7 =	vld [tilespmem:s23+$0x70]  }
0x68: {  	[tilespmem:s18+$0xC30 ss:$0x41] =	vst.msk $0xffff, v6;
	v4 =	vld.idx.msk [tilespmem:v0+s16+$0x440 ss:$0x1], $0xffff  }
0x69: {  	s20 =	sadd.s32 $0x80, s20;
	s21 =	sadd.s32 $0x100, s21;
	[tilespmem:s18+$0x1040 ss:$0x41] =	vst.msk $0xffff, v9;
	v5 =	vld.idx.msk [tilespmem:v0+s16+$0x450 ss:$0x1], $0xffff  }
0x6a: {  	s22 =	sadd.s32 $0x4, s22;
	s24 =	sand.u32 $0x380, s20;
	s23 =	sand.u32 $0x3800, s21;
	[tilespmem:s18+$0x1450 ss:$0x41] =	vst.msk $0xffff, v10;
	v6 =	vld.idx.msk [tilespmem:v0+s16+$0x460 ss:$0x1], $0xffff  }
.Ltmp4:
0x6b: {  	_ = 	snop;
	(pc) =	sbr.rel .LBB1_4-.Ltmp4, $1  }
0x6c: {  	_ =	sdelay $0x3  }
.LBB1_6:
0x6d: {  	_ =	sfence.sel $0x180000  }
0x6e: {  	s2 =	simm.s32 $0x1;
	[bflag:$0x0] =	sbarrier.arrive $0xFFFF  }
0x6f: {  	s31 =	simm.s32 $0x2;
	[sflag:s2] =	ssyncpa.u1 $0x1  }
0x70: {  	[sflag:s31] =	ssyncpa.u1 $0x1  }
0x71: {  	p0 =	sne.s32 s0, $0x0;
	_ =	strace $0x9000004A  }
0x72: {  	s0 =	sadd.s32 @!p0 $0x100000, s1;
	[bflag:$0x2] =	sbarrier.arrive $0xFFFF  }
0x73: {  	[sflag:s0] =	ssyncadd.tile.s32 @!p0 $0x1;
	_ =	shalt  }
.Lfunc_end1:
_tile_overlayer_lowered:
.L_overlay_start_2:
0x74: {  	(tag) =	ssettag $0x2  }
0x75: {  	s0 =	rddreg [dreg:$0x0];
	s2 =	stileid.u32  }
0x76: {  	s1 =	rddreg [dreg:$0x1];
	p0 =	sne.s32 s2, $0x0  }
0x77: {  	s3 =	rddreg [dreg:$0x2];
	[bflag:$0x3] =	sbarrier.arrive $0xFFFF;
	s2 =	simm.s32 @!p0 $0x1C01  }
0x78: {  	[timem:s3], [sflag:s2] =	dma.local @!p0 [hbm:s0], s1  }
0x79: {  	s0 =	simm.s32 @!p0 $0x1  }
0x7a: {  	_ =	swait.ge @!p0 [sflag:s0], s1  }
0x7b: {  	s1 =	ssub.s32 @!p0 $0x0, s1;
	[sflag:s0] =	ssyncset.done @!p0 $0x0  }
0x7c: {  	[sflag:s0] =	ssyncadd.s32 @!p0 s1  }
0x7d: {  	[bflag:$0x3] =	sbarrier.arrive $0xFFFF  }
0x7e: {  	_ =	shalt  }

// kernel: sparse-core-data-format-call.4.cloned.1.call-start
scs
called_computation.4_lowered:
.L_overlay_start_0:
0x0: {  	s1 =	sld [smem:$0x3FD9]  }
0x1: {  	s2 =	sld [smem:$0x3FFE];
	_ =	sdelay $0x1  }
0x2: {  	s3 =	srdreg.scid  }
0x3: {  	s0 =	sand.u32 $0x1, s3  }
0x4: {  	s17 =	sshll.u32 s0, $0xA;
	s1 =	sadd.s32 s2, s1  }
0x5: {  	s1 =	sadd.s32 s1, s17  }
0x6: {  	[smem:$0x3FAA] =	sst s1  }
0x7: {  	_ = 	snop  }
0x8: {  	(tm) =	ssettm $0x1  }
0x9: {  	s18 =	sld [smem:$0x3FFB];
	_ =	sdelay $0x3  }
0xa: {  	_ =	strace s18  }
0xb: {  	s1 =	sld [smem:$0x3FFC];
	_ =	sdelay $0x3  }
0xc: {  	_ =	strace s1  }
0xd: {  	s1 =	sld [smem:$0x3FFD];
	_ =	sdelay $0x3  }
0xe: {  	_ =	strace s1  }
0xf: {  	_ =	strace $0x8FFFFFFF  }
0x10: {  	s19 =	sld [smem:$0x3FDB];
	_ =	sdelay $0x1  }
0x11: {  	s20 =	simm.s32 $_scs_section_size  }
0x12: {  	s4 =	simm.s32 $_size__tile_overlayer_lowered;
	s5 =	simm.s32 $_tile_overlayer_lowered  }
0x13: {  	s23 =	simm.s32 $0x1BFF;
	s22 =	sshll.u32 s5, $0x1;
	s1 =	sadd.s32 s20, s19  }
0x14: {  	s6 =	simm.s32 $0x0;
	s21 =	sshll.u32 s4, $0x1;
	s4 =	sadd.s32 s22, s1  }
0x15: {  	[timem:s6], [sflag:s23] =	dma.local [hbm:s4], s21  }
0x16: {  	_ =	swait.ge [sflag:s23], s21  }
0x17: {  	s2 =	ssub.s32 $0x0, s21;
	[sflag:s23] =	ssyncset.done $0x0  }
0x18: {  	[sflag:s23] =	ssyncadd.s32 s2;
	_ =	sdelay $0x1  }
0x19: {  	s24 =	simm.s32 $0x1B8B  }
0x1a: {  	_ =	swait.ge [sflag:s24], $0x1  }
0x1b: {  	[sflag:s24] =	ssyncset.done $0x0  }
0x1c: {  	s26 =	simm.s32 $0x1B8E;
	s25 =	sld [smem:$0x3FFE];
	[sflag:s24] =	ssyncadd.s32 $0xFFFFFFFF  }
0x1d: {  	s27 =	simm.s32 $execute0_lowered;
	[smem:$0x3FD2] =	sst s26  }
0x1e: {  	s4 =	sshll.u32 s27, $0x1;
	_ =	strace $0x80000046;
	[dreg:$0x1] =	wrdreg $0xFFFFFFFF  }
0x1f: {  	s28 =	simm.s32 $_size_execute0_lowered;
	s1 =	sadd.s32 s1, s4;
	[dreg:$0x0] =	wrdreg $0x0  }
0x20: {  	s4 =	sshll.u32 s28, $0x1;
	[dreg:$0x2] =	wrdreg s1  }
0x21: {  	[dreg:$0x3] =	wrdreg s4  }
0x22: {  	[dreg:$0x4] =	wrdreg $0xC0  }
0x23: {  	_ =	task [dreg:s6], $0x5FFFF  }
0x24: {  	[dreg:$0x1] =	wrdreg $0xFFFFFFFF  }
0x25: {  	[dreg:$0x0] =	wrdreg $0x60  }
0x26: {  	[dreg:$0x2] =	wrdreg s25  }
0x27: {  	[dreg:$0x3] =	wrdreg $0x9  }
0x28: {  	_ =	task.clear_ibuf [dreg:s6], $0x4FFFF;
	_ =	strace $0x90000046  }
0x29: {  	s29 =	simm.s32 $0x9;
	_ =	strace $0x80000048  }
0x2a: {  	_ =	swait.ge [sflag:s29], $0x1  }
0x2b: {  	[sflag:s29] =	ssyncadd.s32 $0xFFFFFFFF  }
0x2c: {  	_ =	strace $0x90000048  }
0x2d: {  	_ =	sfence  }
0x2e: {  	s30 =	sld [smem:$0x0];
	_ =	sdelay $0x2  }
0x2f: {  	s31 =	sshll.u32 s3, $0xD;
	s3 =	sshrl.u32 s3, $0x2  }
0x30: {  	s2 =	sand.u32 $0x4000, s31;
	s1 =	sadd.s32 s3, s30  }
0x31: {  	s0 =	sor.u32 s2, s0;
	s1 =	sshll.u32 s1, $0x11  }
0x32: {  	s0 =	sor.u32 s1, s0  }
0x33: {  	s0 =	sadd.s32 $0x8F2B, s0  }
0x34: {  	[sflag:s0] =	ssyncadd.remote.s32 $0x1  }
0x35: {  	_ =	sfence.sel $0xFFFF  }
0x36: {  	[dreg:$0x0] =	wrdreg $0xFFFFFFFF;
	(pc) =	sbr.abs _section_cstart, $3  }
0x37: {  	[dreg:$0x1] =	wrdreg $0xFFFFFFFF  }
0x38: {  	_ =	task.clear_ibuf [dreg:s6], $0x2FFFF;
	_ =	strace $0x9FFFFFFF  }
0x39: {  	(tm) =	ssettm $0x7FFFFFFF  }
tec
execute0_lowered:
.L_overlay_start_1:
0x0: {  	(tag) =	ssettag $0x1  }
0x1: {  	s0 =	stileid.u32  }
0x2: {  	s1 =	srdreg.scid;
	s3 =	rddreg [dreg:$0x0];
	s7 =	simm.s32 $0x1  }
0x3: {  	s6 =	simm.s32 $0x1;
	s2 =	sshll.u32 s0, $0x4;
	s1 =	sshll.u32 s1, $0x8  }
0x4: {  	s31 =	simm.s32 $0x2;
	s16 =	simm.s32 $0x0;
	s1 =	sor.u32 s2, s1  }
0x5: {  	s9 =	simm.s32 $0x4000;
	s14 =	simm.s32 $0x0;
	s2 =	sand.u32 $0x180, s1  }
0x6: {  	s15 =	simm.s32 $0x0;
	s10 =	simm.s32 $0x0;
	s5 =	ssub.s32 $0x800, s2  }
0x7: {  	s13 =	simm.s32 $0x0;
	s1 =	rddreg [dreg:$0x1];
	s4 =	sand.u32 $0x180, s5  }
.Ltmp0:
0x8: {  	_ =	strace $0x80000047;
	p0 =	sne.s32 s4, $0x0;
	(pc) =	sbr.rel .LBB1_1-.Ltmp0, $4  }
0x9: {  	[sflag:s6] =	ssyncpa.u1 $0x0;
	s8 =	sshrl.u32 s5, $0x9;
	s7 =	simm.s32 @!p0 $0x0  }
0xa: {  	s11 =	smov.u32 s2;
	s5 =	sand.u32 $0x7, s0;
	s7 =	sadd.s32 s7, s8  }
0xb: {  	[sflag:s31] =	ssyncpa.u1 $0x0;
	s4 =	sadd.s32 $0x400000, s3;
	s7 =	sshll.u32 s7, $0x4  }
0xc: {  	s12 =	smov.u32 s5;
	p0 =	por $0x0, $0x0;
	s8 =	sor.u32 $0x1, s7  }
.LBB1_4:
0xd: {  	v5 =	vld [tilespmem:s19+$0xFFFFFFD0]  }
0xe: {  	[tilespmem:s20+$0x2040 ss:$0x81] =	vst.msk $0xffff, v1;
	v58 =	vld [tilespmem:s19+$0xFFFFFFE0]  }
0xf: {  	[tilespmem:s20+$0x2850 ss:$0x81] =	vst.msk $0xffff, v2;
	v59 =	vld [tilespmem:s19+$0xFFFFFFF0]  }
0x10: {  	s21 =	sshra.s32 s21, $0x2;
	[tilespmem:s20+$0x3060 ss:$0x81] =	vst.msk $0xffff, v3;
	v60 =	vld [tilespmem:s19+$0x0]  }
0x11: {  	[tilespmem:s20+$0x0 ss:$0x81] =	vst.msk $0xffff, v0;
	v61 =	vld [tilespmem:s19+$0x10];
	s18 =	sadd.s32 s21, s18  }
0x12: {  	s26 =	sshll.u32 s16, $0xB;
	v62 =	vld [tilespmem:s19+$0x20];
	[tilespmem:s18+$0x3870 ss:$0x81] =	vst.msk $0xffff, v4  }
0x13: {  	s27 =	sand.u32 $0x78, s14;
	s22 =	sshll.u32 s14, $0x3;
	v63 =	vld [tilespmem:s19+$0xFFFFFFC0];
	s29 =	sshll.u32 s16, $0x7;
	[tilespmem:s18+$0x810 ss:$0x81] =	vst.msk $0xffff, v5  }
0x14: {  	s15 =	sshll.u32 s15, $0x13;
	s20 =	sand.u32 $0x3FC000, s26;
	s28 =	sand.u32 $0x3FFC00, s22;
	[tilespmem:s18+$0x1020 ss:$0x81] =	vst.msk $0xffff, v58  }
0x15: {  	s31 =	sand.u32 $0x7, s14;
	s22 =	sand.u32 $0x400, s22;
	s19 =	sadd.s32 s28, s20;
	[tilespmem:s18+$0x1830 ss:$0x81] =	vst.msk $0xffff, v59  }
0x16: {  	s16 =	sand.u32 $0x380, s29;
	s30 =	sor.u32 s27, s22;
	s19 =	sshrl.u32 s19, $0x3;
	[tilespmem:s18+$0x2040 ss:$0x81] =	vst.msk $0xffff, v60  }
0x17: {  	s15 =	sadd.s32 s4, s15;
	s16 =	sor.u32 s16, s30;
	s19 =	sand.u32 $0x7FF00, s19;
	[tilespmem:s18+$0x2850 ss:$0x81] =	vst.msk $0xffff, v61  }
0x18: {  	s14 =	sshll.u32 s31, $0x12;
	s16 =	sshrl.u32 s16, $0x3;
	[tilespmem:s18+$0x3060 ss:$0x81] =	vst.msk $0xffff, v62;
	s15 =	sadd.s32 s19, s15  }
0x19: {  	s14 =	sor.u32 $0x400, s14;
	[tilespmem:s18+$0x0 ss:$0x81] =	vst.msk $0xffff, v63;
	s15 =	sadd.s32 s16, s15  }
0x1a: {  	[hbm4b:s15+s14] =	stream.strided.scatter [tilespmem:s17], [sflag:$0x2], $0x4000, s9, s14, $0x20;
	[tilespmem:$0x10100] =	vst v63  }
.LBB1_5:
0x1b: {  	s17 =	sadd.s32 $0x80, s10  }
0x1c: {  	s14 =	sadd.s32 $0x200, s11;
	s18 =	smov.u32 s11;
	p2 =	sgt.s32 s17, $0x7FF  }
0x1d: {  	s18 =	smov.u32 @p2 s14  }
0x1e: {  	s20 =	smov.u32 s12;
	s14 =	sadd.s32 $0x8, s12;
	p3 =	sgt.s32 s18, $0x7FF  }
0x1f: {  	s20 =	smov.u32 @p3 s14  }
0x20: {  	s17 =	simm.s32 @p2 $0x0;
	p2 =	sgt.s32 s20, $0x7  }
0x21: {  	p1 =	slt.u32 s13, $0x2;
	s20 =	smov.u32 @p2 s5;
	p2 =	sne.s32 s13, s8  }
.Ltmp1:
0x22: {  	s19 =	simm.s32 @!p1 $0x2;
	(pc) =	sbr.rel @!p2 .LBB1_6-.Ltmp1, $4  }
0x23: {  	s16 =	smov.u32 s10;
	s15 =	smov.u32 s12;
	_ =	swait.ge @!p1 [sflag:s19], $0x4000  }
0x24: {  	p0 =	por !p0, !p0;
	[sflag:s19] =	ssyncset.done @!p1 $0x0;
	s10 =	smov.u32 s17  }
0x25: {  	s18 =	smov.u32 @p3 s2;
	s14 =	smov.u32 s11;
	[sflag:s19] =	ssyncadd.s32 @!p1 $0xFFFFC000  }
0x26: {  	s11 =	smov.u32 s18;
	s13 =	sadd.s32 $0x1, s13;
	s12 =	smov.u32 s20  }
.LBB1_1:
0x27: {  	p1 =	sge.u32 s13, s7;
	s31 =	sadd.s32 $0xFFFFFFFF, s13  }
0x28: {  	s17 =	sxor.u32 @!p1 $0xFFFFFFFF, s13;
	s18 =	sand.u32 @!p1 $0x78, s10;
	s19 =	sshll.u32 @!p1 s11, $0xB  }
0x29: {  	s20 =	sshll.u32 @!p1 s11, $0x7;
	s21 =	sshll.u32 @!p1 s10, $0x3;
	s17 =	sshll.u32 @!p1 s17, $0xE  }
0x2a: {  	s19 =	sand.u32 @!p1 $0x3FC000, s19;
	s20 =	sand.u32 @!p1 $0x380, s20;
	s17 =	sand.u32 @!p1 $0x4000, s17  }
0x2b: {  	s19 =	sadd.s32 @!p1 s19, s21;
	s21 =	sand.u32 @!p1 $0x400, s21;
	s18 =	sor.u32 @!p1 s20, s18  }
0x2c: {  	s20 =	sshll.u32 @!p1 s12, $0x13;
	s18 =	sor.u32 @!p1 s21, s18;
	s19 =	sshrl.u32 @!p1 s19, $0x3  }
0x2d: {  	s20 =	sadd.s32 @!p1 s3, s20;
	s21 =	sand.u32 @!p1 $0x7, s10;
	s19 =	sand.u32 @!p1 $0x7FF00, s19  }
0x2e: {  	s18 =	sshrl.u32 @!p1 s18, $0x3;
	s19 =	sadd.s32 @!p1 s19, s20;
	s20 =	sshll.u32 @!p1 s21, $0x12  }
0x2f: {  	s18 =	sadd.s32 @!p1 s18, s19;
	s19 =	sor.u32 @!p1 $0x400, s20;
	s20 =	simm.s32 @!p1 $0x4000  }
0x30: {  	[tilespmem:s17], [sflag:$0x1] =	stream.strided.gather @!p1 [hbm4b:s18+s19], $0x4000, s20, s19, $0x38;
	[tilespmem:$0x10100] =	vst v63  }
0x31: {  	p1 =	sge.u32 s31, s7  }
.Ltmp2:
0x32: {  	_ = 	snop;
	(pc) =	sbr.rel @p1 .LBB1_5-.Ltmp2, $1  }
0x33: {  	_ =	sdelay $0x3  }
0x34: {  	s17 =	simm.s32 $0x1  }
0x35: {  	_ =	swait.ge [sflag:s6], $0x4000;
	s17 =	simm.s32 @!p0 $0x0  }
0x36: {  	[sflag:s6] =	ssyncset.done $0x0;
	s18 =	sshll.u32 s17, $0xE  }
0x37: {  	[sflag:s6] =	ssyncadd.s32 $0xFFFFC000;
	s19 =	sor.u32 $0x40, s18  }
0x38: {  	s17 =	smul.u32 $0x10200, s17;
	v0 =	vld [tilespmem:s19+$0x30]  }
0x39: {  	v3 =	vld [tilespmem:s19+$0xFFFFFFD0]  }
0x3a: {  	s17 =	sshrl.u32 s17, $0x2;
	v4 =	vld [tilespmem:s19+$0xFFFFFFE0]  }
0x3b: {  	v5 =	vld [tilespmem:s19+$0xFFFFFFF0];
	s18 =	sor.u32 $0x8000, s17  }
0x3c: {  	s31 =	sand.u32 $0x1, s13;
	v1 =	vld [tilespmem:s19+$0x0];
	s20 =	sadd.s32 $0x0, s18  }
0x3d: {  	v2 =	vld [tilespmem:s19+$0x10];
	s17 =	smul.u32 $0x10200, s31;
	[tilespmem:s20+$0x3870 ss:$0x81] =	vst.msk $0xffff, v0  }
0x3e: {  	[tilespmem:s20+$0x810 ss:$0x81] =	vst.msk $0xffff, v3;
	v3 =	vld [tilespmem:s19+$0x20]  }
0x3f: {  	s17 =	sshrl.u32 s17, $0x2;
	v0 =	vld [tilespmem:s19+$0xFFFFFFC0];
	[tilespmem:s20+$0x1020 ss:$0x81] =	vst.msk $0xffff, v4;
	s19 =	sadd.s32 $0x80, s19  }
0x40: {  	s21 =	simm.s32 $0x4;
	s22 =	simm.s32 $0x8;
	s17 =	sor.u32 $0x8000, s17;
	[tilespmem:s20+$0x1830 ss:$0x81] =	vst.msk $0xffff, v5;
	v4 =	vld [tilespmem:s19+$0x30]  }
.LBB1_3:
0x41: {  	p1 =	sne.s32 s22, $0x1FC;
	v5 =	vld [tilespmem:s19+$0xFFFFFFD0];
	[tilespmem:s20+$0x2040 ss:$0x81] =	vst.msk $0xffff, v1  }
0x42: {  	v6 =	vld [tilespmem:s19+$0xFFFFFFE0];
	[tilespmem:s20+$0x2850 ss:$0x81] =	vst.msk $0xffff, v2  }
0x43: {  	s23 =	sshra.s32 s21, $0x2;
	s21 =	smov.u32 s22;
	v7 =	vld [tilespmem:s19+$0xFFFFFFF0];
	[tilespmem:s20+$0x3060 ss:$0x81] =	vst.msk $0xffff, v3  }
.Ltmp3:
0x44: {  	v1 =	vld [tilespmem:s19+$0x0];
	[tilespmem:s20+$0x0 ss:$0x81] =	vst.msk $0xffff, v0;
	s20 =	sadd.s32 s23, s18;
	(pc) =	sbr.rel @p1 .LBB1_3-.Ltmp3, $4  }
0x45: {  	v2 =	vld [tilespmem:s19+$0x10];
	[tilespmem:s20+$0x3870 ss:$0x81] =	vst.msk $0xffff, v4  }
0x46: {  	[tilespmem:s20+$0x810 ss:$0x81] =	vst.msk $0xffff, v5;
	v3 =	vld [tilespmem:s19+$0x20]  }
0x47: {  	v0 =	vld [tilespmem:s19+$0xFFFFFFC0];
	[tilespmem:s20+$0x1020 ss:$0x81] =	vst.msk $0xffff, v6;
	s19 =	sadd.s32 $0x80, s19  }
0x48: {  	s22 =	sadd.s32 $0x4, s22;
	v4 =	vld [tilespmem:s19+$0x30];
	[tilespmem:s20+$0x1830 ss:$0x81] =	vst.msk $0xffff, v7  }
.Ltmp4:
0x49: {  	_ = 	snop;
	(pc) =	sbr.rel .LBB1_4-.Ltmp4, $1  }
0x4a: {  	_ =	sdelay $0x3  }
.LBB1_6:
0x4b: {  	_ =	sfence.sel $0x180000  }
0x4c: {  	s2 =	simm.s32 $0x1;
	[bflag:$0x0] =	sbarrier.arrive $0xFFFF  }
0x4d: {  	s31 =	simm.s32 $0x2;
	[sflag:s2] =	ssyncpa.u1 $0x1  }
0x4e: {  	[sflag:s31] =	ssyncpa.u1 $0x1  }
0x4f: {  	p0 =	sne.s32 s0, $0x0;
	_ =	strace $0x90000047  }
0x50: {  	s0 =	sadd.s32 @!p0 $0x100000, s1;
	[bflag:$0x2] =	sbarrier.arrive $0xFFFF  }
0x51: {  	[sflag:s0] =	ssyncadd.tile.s32 @!p0 $0x1;
	_ =	shalt  }
.Lfunc_end1:
_tile_overlayer_lowered:
.L_overlay_start_2:
0x52: {  	(tag) =	ssettag $0x2  }
0x53: {  	s0 =	rddreg [dreg:$0x0];
	s2 =	stileid.u32  }
0x54: {  	s1 =	rddreg [dreg:$0x1];
	p0 =	sne.s32 s2, $0x0  }
0x55: {  	s3 =	rddreg [dreg:$0x2];
	[bflag:$0x3] =	sbarrier.arrive $0xFFFF;
	s2 =	simm.s32 @!p0 $0x1C01  }
0x56: {  	[timem:s3], [sflag:s2] =	dma.local @!p0 [hbm:s0], s1  }
0x57: {  	s0 =	simm.s32 @!p0 $0x1  }
0x58: {  	_ =	swait.ge @!p0 [sflag:s0], s1  }
0x59: {  	s1 =	ssub.s32 @!p0 $0x0, s1;
	[sflag:s0] =	ssyncset.done @!p0 $0x0  }
0x5a: {  	[sflag:s0] =	ssyncadd.s32 @!p0 s1  }
0x5b: {  	[bflag:$0x3] =	sbarrier.arrive $0xFFFF  }
0x5c: {  	_ =	shalt  }

// kernel: sparse-core-data-format-call.cloned.1.call-start
scs
called_computation_lowered:
.L_overlay_start_0:
0x0: {  	s1 =	sld [smem:$0x3FD9]  }
0x1: {  	s2 =	sld [smem:$0x3FFE];
	_ =	sdelay $0x1  }
0x2: {  	s3 =	srdreg.scid  }
0x3: {  	s0 =	sand.u32 $0x1, s3  }
0x4: {  	s17 =	sshll.u32 s0, $0xA;
	s1 =	sadd.s32 s2, s1  }
0x5: {  	s1 =	sadd.s32 s1, s17  }
0x6: {  	[smem:$0x3FAA] =	sst s1  }
0x7: {  	_ = 	snop  }
0x8: {  	(tm) =	ssettm $0x1  }
0x9: {  	s18 =	sld [smem:$0x3FFB];
	_ =	sdelay $0x3  }
0xa: {  	_ =	strace s18  }
0xb: {  	s1 =	sld [smem:$0x3FFC];
	_ =	sdelay $0x3  }
0xc: {  	_ =	strace s1  }
0xd: {  	s1 =	sld [smem:$0x3FFD];
	_ =	sdelay $0x3  }
0xe: {  	_ =	strace s1  }
0xf: {  	_ =	strace $0x8FFFFFFF  }
0x10: {  	s19 =	sld [smem:$0x3FDB];
	_ =	sdelay $0x1  }
0x11: {  	s20 =	simm.s32 $_scs_section_size  }
0x12: {  	s4 =	simm.s32 $_size__tile_overlayer_lowered;
	s5 =	simm.s32 $_tile_overlayer_lowered  }
0x13: {  	s23 =	simm.s32 $0x1BFF;
	s22 =	sshll.u32 s5, $0x1;
	s1 =	sadd.s32 s20, s19  }
0x14: {  	s6 =	simm.s32 $0x0;
	s21 =	sshll.u32 s4, $0x1;
	s4 =	sadd.s32 s22, s1  }
0x15: {  	[timem:s6], [sflag:s23] =	dma.local [hbm:s4], s21  }
0x16: {  	_ =	swait.ge [sflag:s23], s21  }
0x17: {  	s2 =	ssub.s32 $0x0, s21;
	[sflag:s23] =	ssyncset.done $0x0  }
0x18: {  	[sflag:s23] =	ssyncadd.s32 s2;
	_ =	sdelay $0x1  }
0x19: {  	s24 =	simm.s32 $0x1B8B  }
0x1a: {  	_ =	swait.ge [sflag:s24], $0x1  }
0x1b: {  	[sflag:s24] =	ssyncset.done $0x0  }
0x1c: {  	s26 =	simm.s32 $0x1B8E;
	s25 =	sld [smem:$0x3FFE];
	[sflag:s24] =	ssyncadd.s32 $0xFFFFFFFF  }
0x1d: {  	s27 =	simm.s32 $execute0_lowered;
	[smem:$0x3FD2] =	sst s26  }
0x1e: {  	s4 =	sshll.u32 s27, $0x1;
	_ =	strace $0x80000052;
	[dreg:$0x1] =	wrdreg $0xFFFFFFFF  }
0x1f: {  	s28 =	simm.s32 $_size_execute0_lowered;
	s1 =	sadd.s32 s1, s4;
	[dreg:$0x0] =	wrdreg $0x0  }
0x20: {  	s4 =	sshll.u32 s28, $0x1;
	[dreg:$0x2] =	wrdreg s1  }
0x21: {  	[dreg:$0x3] =	wrdreg s4  }
0x22: {  	[dreg:$0x4] =	wrdreg $0xC0  }
0x23: {  	_ =	task [dreg:s6], $0x5FFFF  }
0x24: {  	[dreg:$0x1] =	wrdreg $0xFFFFFFFF  }
0x25: {  	[dreg:$0x0] =	wrdreg $0x60  }
0x26: {  	[dreg:$0x2] =	wrdreg s25  }
0x27: {  	[dreg:$0x3] =	wrdreg $0x9  }
0x28: {  	_ =	task.clear_ibuf [dreg:s6], $0x4FFFF;
	_ =	strace $0x90000052  }
0x29: {  	s29 =	simm.s32 $0x9;
	_ =	strace $0x80000054  }
0x2a: {  	_ =	swait.ge [sflag:s29], $0x1  }
0x2b: {  	[sflag:s29] =	ssyncadd.s32 $0xFFFFFFFF  }
0x2c: {  	_ =	strace $0x90000054  }
0x2d: {  	_ =	sfence  }
0x2e: {  	s30 =	sld [smem:$0x0];
	_ =	sdelay $0x2  }
0x2f: {  	s31 =	sshll.u32 s3, $0xD;
	s3 =	sshrl.u32 s3, $0x2  }
0x30: {  	s2 =	sand.u32 $0x4000, s31;
	s1 =	sadd.s32 s3, s30  }
0x31: {  	s0 =	sor.u32 s2, s0;
	s1 =	sshll.u32 s1, $0x11  }
0x32: {  	s0 =	sor.u32 s1, s0  }
0x33: {  	s0 =	sadd.s32 $0x8F2B, s0  }
0x34: {  	[sflag:s0] =	ssyncadd.remote.s32 $0x1  }
0x35: {  	_ =	sfence.sel $0xFFFF  }
0x36: {  	[dreg:$0x0] =	wrdreg $0xFFFFFFFF;
	(pc) =	sbr.abs _section_cstart, $3  }
0x37: {  	[dreg:$0x1] =	wrdreg $0xFFFFFFFF  }
0x38: {  	_ =	task.clear_ibuf [dreg:s6], $0x2FFFF;
	_ =	strace $0x9FFFFFFF  }
0x39: {  	(tm) =	ssettm $0x7FFFFFFF  }
tec
execute0_lowered:
.L_overlay_start_1:
0x0: {  	(tag) =	ssettag $0x1  }
0x1: {  	s0 =	stileid.u32;
	s1 =	srdreg.scid  }
0x2: {  	s4 =	rddreg [dreg:$0x0];
	s7 =	simm.s32 $0x1;
	s31 =	simm.s32 $0x2  }
0x3: {  	s16 =	simm.s32 $0x0;
	s2 =	sshll.u32 s0, $0x4;
	s1 =	sshll.u32 s1, $0x8  }
0x4: {  	s9 =	simm.s32 $0x4000;
	s14 =	simm.s32 $0x0;
	s1 =	sor.u32 s2, s1  }
0x5: {  	s15 =	simm.s32 $0x0;
	s10 =	simm.s32 $0x0;
	s2 =	sand.u32 $0x180, s1  }
0x6: {  	s13 =	simm.s32 $0x0;
	s3 =	sadd.s32 $0x440000, s4;
	s5 =	ssub.s32 $0x800, s2  }
0x7: {  	s4 =	sadd.s32 $0x840000, s4;
	s1 =	rddreg [dreg:$0x1];
	s6 =	sand.u32 $0x180, s5  }
.Ltmp0:
0x8: {  	_ =	strace $0x80000053;
	p0 =	sne.s32 s6, $0x0;
	(pc) =	sbr.rel .LBB1_1-.Ltmp0, $4  }
0x9: {  	s11 =	smov.u32 s2;
	s8 =	sshrl.u32 s5, $0x9;
	s7 =	simm.s32 @!p0 $0x0  }
0xa: {  	s5 =	sand.u32 $0x7, s0;
	s6 =	simm.s32 $0x1;
	s7 =	sadd.s32 s7, s8  }
0xb: {  	s12 =	smov.u32 s5;
	[sflag:s6] =	ssyncpa.u1 $0x0;
	s7 =	sshll.u32 s7, $0x4  }
0xc: {  	p0 =	por $0x0, $0x0;
	[sflag:s31] =	ssyncpa.u1 $0x0;
	s8 =	sor.u32 $0x1, s7  }
.LBB1_4:
0xd: {  	v5 =	vld [tilespmem:s19+$0xFFFFFFD0]  }
0xe: {  	[tilespmem:s20+$0x2040 ss:$0x81] =	vst.msk $0xffff, v1;
	v58 =	vld [tilespmem:s19+$0xFFFFFFE0]  }
0xf: {  	[tilespmem:s20+$0x2850 ss:$0x81] =	vst.msk $0xffff, v2;
	v59 =	vld [tilespmem:s19+$0xFFFFFFF0]  }
0x10: {  	s21 =	sshra.s32 s21, $0x2;
	[tilespmem:s20+$0x3060 ss:$0x81] =	vst.msk $0xffff, v3;
	v60 =	vld [tilespmem:s19+$0x0]  }
0x11: {  	[tilespmem:s20+$0x0 ss:$0x81] =	vst.msk $0xffff, v0;
	v61 =	vld [tilespmem:s19+$0x10];
	s18 =	sadd.s32 s21, s18  }
0x12: {  	s26 =	sshll.u32 s16, $0xB;
	v62 =	vld [tilespmem:s19+$0x20];
	[tilespmem:s18+$0x3870 ss:$0x81] =	vst.msk $0xffff, v4  }
0x13: {  	s27 =	sand.u32 $0x78, s14;
	s22 =	sshll.u32 s14, $0x3;
	v63 =	vld [tilespmem:s19+$0xFFFFFFC0];
	s29 =	sshll.u32 s16, $0x7;
	[tilespmem:s18+$0x810 ss:$0x81] =	vst.msk $0xffff, v5  }
0x14: {  	s15 =	sshll.u32 s15, $0x13;
	s20 =	sand.u32 $0x3FC000, s26;
	s28 =	sand.u32 $0x3FFC00, s22;
	[tilespmem:s18+$0x1020 ss:$0x81] =	vst.msk $0xffff, v58  }
0x15: {  	s31 =	sand.u32 $0x7, s14;
	s22 =	sand.u32 $0x400, s22;
	s19 =	sadd.s32 s28, s20;
	[tilespmem:s18+$0x1830 ss:$0x81] =	vst.msk $0xffff, v59  }
0x16: {  	s16 =	sand.u32 $0x380, s29;
	s30 =	sor.u32 s27, s22;
	s19 =	sshrl.u32 s19, $0x3;
	[tilespmem:s18+$0x2040 ss:$0x81] =	vst.msk $0xffff, v60  }
0x17: {  	s15 =	sadd.s32 s4, s15;
	s16 =	sor.u32 s16, s30;
	s19 =	sand.u32 $0x7FF00, s19;
	[tilespmem:s18+$0x2850 ss:$0x81] =	vst.msk $0xffff, v61  }
0x18: {  	s14 =	sshll.u32 s31, $0x12;
	s16 =	sshrl.u32 s16, $0x3;
	[tilespmem:s18+$0x3060 ss:$0x81] =	vst.msk $0xffff, v62;
	s15 =	sadd.s32 s19, s15  }
0x19: {  	s14 =	sor.u32 $0x400, s14;
	[tilespmem:s18+$0x0 ss:$0x81] =	vst.msk $0xffff, v63;
	s15 =	sadd.s32 s16, s15  }
0x1a: {  	[hbm4b:s15+s14] =	stream.strided.scatter [tilespmem:s17], [sflag:$0x2], $0x4000, s9, s14, $0x20;
	[tilespmem:$0x10100] =	vst v63  }
.LBB1_5:
0x1b: {  	s17 =	sadd.s32 $0x80, s10  }
0x1c: {  	s14 =	sadd.s32 $0x200, s11;
	s18 =	smov.u32 s11;
	p2 =	sgt.s32 s17, $0x7FF  }
0x1d: {  	s18 =	smov.u32 @p2 s14  }
0x1e: {  	s20 =	smov.u32 s12;
	s14 =	sadd.s32 $0x8, s12;
	p3 =	sgt.s32 s18, $0x7FF  }
0x1f: {  	s20 =	smov.u32 @p3 s14  }
0x20: {  	s17 =	simm.s32 @p2 $0x0;
	p2 =	sgt.s32 s20, $0x7  }
0x21: {  	p1 =	slt.u32 s13, $0x2;
	s20 =	smov.u32 @p2 s5;
	p2 =	sne.s32 s13, s8  }
.Ltmp1:
0x22: {  	s19 =	simm.s32 @!p1 $0x2;
	(pc) =	sbr.rel @!p2 .LBB1_6-.Ltmp1, $4  }
0x23: {  	s16 =	smov.u32 s10;
	s15 =	smov.u32 s12;
	_ =	swait.ge @!p1 [sflag:s19], $0x4000  }
0x24: {  	p0 =	por !p0, !p0;
	[sflag:s19] =	ssyncset.done @!p1 $0x0;
	s10 =	smov.u32 s17  }
0x25: {  	s18 =	smov.u32 @p3 s2;
	s14 =	smov.u32 s11;
	[sflag:s19] =	ssyncadd.s32 @!p1 $0xFFFFC000  }
0x26: {  	s11 =	smov.u32 s18;
	s13 =	sadd.s32 $0x1, s13;
	s12 =	smov.u32 s20  }
.LBB1_1:
0x27: {  	p1 =	sge.u32 s13, s7;
	s31 =	sadd.s32 $0xFFFFFFFF, s13  }
0x28: {  	s17 =	sxor.u32 @!p1 $0xFFFFFFFF, s13;
	s18 =	sand.u32 @!p1 $0x78, s10;
	s19 =	sshll.u32 @!p1 s11, $0xB  }
0x29: {  	s20 =	sshll.u32 @!p1 s11, $0x7;
	s21 =	sshll.u32 @!p1 s10, $0x3;
	s17 =	sshll.u32 @!p1 s17, $0xE  }
0x2a: {  	s19 =	sand.u32 @!p1 $0x3FC000, s19;
	s20 =	sand.u32 @!p1 $0x380, s20;
	s17 =	sand.u32 @!p1 $0x4000, s17  }
0x2b: {  	s19 =	sadd.s32 @!p1 s19, s21;
	s21 =	sand.u32 @!p1 $0x400, s21;
	s18 =	sor.u32 @!p1 s20, s18  }
0x2c: {  	s20 =	sshll.u32 @!p1 s12, $0x13;
	s18 =	sor.u32 @!p1 s21, s18;
	s19 =	sshrl.u32 @!p1 s19, $0x3  }
0x2d: {  	s20 =	sadd.s32 @!p1 s3, s20;
	s21 =	sand.u32 @!p1 $0x7, s10;
	s19 =	sand.u32 @!p1 $0x7FF00, s19  }
0x2e: {  	s18 =	sshrl.u32 @!p1 s18, $0x3;
	s19 =	sadd.s32 @!p1 s19, s20;
	s20 =	sshll.u32 @!p1 s21, $0x12  }
0x2f: {  	s18 =	sadd.s32 @!p1 s18, s19;
	s19 =	sor.u32 @!p1 $0x400, s20;
	s20 =	simm.s32 @!p1 $0x4000  }
0x30: {  	[tilespmem:s17], [sflag:$0x1] =	stream.strided.gather @!p1 [hbm4b:s18+s19], $0x4000, s20, s19, $0x38;
	[tilespmem:$0x10100] =	vst v63  }
0x31: {  	p1 =	sge.u32 s31, s7  }
.Ltmp2:
0x32: {  	_ = 	snop;
	(pc) =	sbr.rel @p1 .LBB1_5-.Ltmp2, $1  }
0x33: {  	_ =	sdelay $0x3  }
0x34: {  	s17 =	simm.s32 $0x1  }
0x35: {  	_ =	swait.ge [sflag:s6], $0x4000;
	s17 =	simm.s32 @!p0 $0x0  }
0x36: {  	[sflag:s6] =	ssyncset.done $0x0;
	s18 =	sshll.u32 s17, $0xE  }
0x37: {  	[sflag:s6] =	ssyncadd.s32 $0xFFFFC000;
	s19 =	sor.u32 $0x40, s18  }
0x38: {  	s17 =	smul.u32 $0x10200, s17;
	v0 =	vld [tilespmem:s19+$0x30]  }
0x39: {  	v3 =	vld [tilespmem:s19+$0xFFFFFFD0]  }
0x3a: {  	s17 =	sshrl.u32 s17, $0x2;
	v4 =	vld [tilespmem:s19+$0xFFFFFFE0]  }
0x3b: {  	v5 =	vld [tilespmem:s19+$0xFFFFFFF0];
	s18 =	sor.u32 $0x8000, s17  }
0x3c: {  	s31 =	sand.u32 $0x1, s13;
	v1 =	vld [tilespmem:s19+$0x0];
	s20 =	sadd.s32 $0x0, s18  }
0x3d: {  	v2 =	vld [tilespmem:s19+$0x10];
	s17 =	smul.u32 $0x10200, s31;
	[tilespmem:s20+$0x3870 ss:$0x81] =	vst.msk $0xffff, v0  }
0x3e: {  	[tilespmem:s20+$0x810 ss:$0x81] =	vst.msk $0xffff, v3;
	v3 =	vld [tilespmem:s19+$0x20]  }
0x3f: {  	s17 =	sshrl.u32 s17, $0x2;
	v0 =	vld [tilespmem:s19+$0xFFFFFFC0];
	[tilespmem:s20+$0x1020 ss:$0x81] =	vst.msk $0xffff, v4;
	s19 =	sadd.s32 $0x80, s19  }
0x40: {  	s21 =	simm.s32 $0x4;
	s22 =	simm.s32 $0x8;
	s17 =	sor.u32 $0x8000, s17;
	[tilespmem:s20+$0x1830 ss:$0x81] =	vst.msk $0xffff, v5;
	v4 =	vld [tilespmem:s19+$0x30]  }
.LBB1_3:
0x41: {  	p1 =	sne.s32 s22, $0x1FC;
	v5 =	vld [tilespmem:s19+$0xFFFFFFD0];
	[tilespmem:s20+$0x2040 ss:$0x81] =	vst.msk $0xffff, v1  }
0x42: {  	v6 =	vld [tilespmem:s19+$0xFFFFFFE0];
	[tilespmem:s20+$0x2850 ss:$0x81] =	vst.msk $0xffff, v2  }
0x43: {  	s23 =	sshra.s32 s21, $0x2;
	s21 =	smov.u32 s22;
	v7 =	vld [tilespmem:s19+$0xFFFFFFF0];
	[tilespmem:s20+$0x3060 ss:$0x81] =	vst.msk $0xffff, v3  }
.Ltmp3:
0x44: {  	v1 =	vld [tilespmem:s19+$0x0];
	[tilespmem:s20+$0x0 ss:$0x81] =	vst.msk $0xffff, v0;
	s20 =	sadd.s32 s23, s18;
	(pc) =	sbr.rel @p1 .LBB1_3-.Ltmp3, $4  }
0x45: {  	v2 =	vld [tilespmem:s19+$0x10];
	[tilespmem:s20+$0x3870 ss:$0x81] =	vst.msk $0xffff, v4  }
0x46: {  	[tilespmem:s20+$0x810 ss:$0x81] =	vst.msk $0xffff, v5;
	v3 =	vld [tilespmem:s19+$0x20]  }
0x47: {  	v0 =	vld [tilespmem:s19+$0xFFFFFFC0];
	[tilespmem:s20+$0x1020 ss:$0x81] =	vst.msk $0xffff, v6;
	s19 =	sadd.s32 $0x80, s19  }
0x48: {  	s22 =	sadd.s32 $0x4, s22;
	v4 =	vld [tilespmem:s19+$0x30];
	[tilespmem:s20+$0x1830 ss:$0x81] =	vst.msk $0xffff, v7  }
.Ltmp4:
0x49: {  	_ = 	snop;
	(pc) =	sbr.rel .LBB1_4-.Ltmp4, $1  }
0x4a: {  	_ =	sdelay $0x3  }
.LBB1_6:
0x4b: {  	_ =	sfence.sel $0x180000  }
0x4c: {  	s2 =	simm.s32 $0x1;
	[bflag:$0x0] =	sbarrier.arrive $0xFFFF  }
0x4d: {  	s31 =	simm.s32 $0x2;
	[sflag:s2] =	ssyncpa.u1 $0x1  }
0x4e: {  	[sflag:s31] =	ssyncpa.u1 $0x1  }
0x4f: {  	p0 =	sne.s32 s0, $0x0;
	_ =	strace $0x90000053  }
0x50: {  	s0 =	sadd.s32 @!p0 $0x100000, s1;
	[bflag:$0x2] =	sbarrier.arrive $0xFFFF  }
0x51: {  	[sflag:s0] =	ssyncadd.tile.s32 @!p0 $0x1;
	_ =	shalt  }
.Lfunc_end1:
_tile_overlayer_lowered:
.L_overlay_start_2:
0x52: {  	(tag) =	ssettag $0x2  }
0x53: {  	s0 =	rddreg [dreg:$0x0];
	s2 =	stileid.u32  }
0x54: {  	s1 =	rddreg [dreg:$0x1];
	p0 =	sne.s32 s2, $0x0  }
0x55: {  	s3 =	rddreg [dreg:$0x2];
	[bflag:$0x3] =	sbarrier.arrive $0xFFFF;
	s2 =	simm.s32 @!p0 $0x1C01  }
0x56: {  	[timem:s3], [sflag:s2] =	dma.local @!p0 [hbm:s0], s1  }
0x57: {  	s0 =	simm.s32 @!p0 $0x1  }
0x58: {  	_ =	swait.ge @!p0 [sflag:s0], s1  }
0x59: {  	s1 =	ssub.s32 @!p0 $0x0, s1;
	[sflag:s0] =	ssyncset.done @!p0 $0x0  }
0x5a: {  	[sflag:s0] =	ssyncadd.s32 @!p0 s1  }
0x5b: {  	[bflag:$0x3] =	sbarrier.arrive $0xFFFF  }
0x5c: {  	_ =	shalt  }

</sc_bundles>
